<compile_context>
chip_gen: v7x
topology: tpu7x:2x2x1
jax: 0.10.2.dev20260603
libtpu: 0.0.44.dev20260713+nightly
codegen_flags: <defaults>
</compile_context>

<pallas_src>
import functools

import jax
import jax.numpy as jnp
from jax import lax
from jax.experimental import pallas as pl
from jax.experimental.pallas import tpu as pltpu
from jax.experimental.pallas import tpu_sc as plsc

_NC = 2
_NS = 16
_NW = _NC * _NS

_CHUNK = 128
_GROUP = 8


@functools.lru_cache(maxsize=None)
def _build(bf: int, d: int):
    b_per_w = bf // _NW
    n_chunks = b_per_w // _CHUNK
    n_groups = n_chunks // _GROUP
    rows_per_group = _GROUP * _CHUNK

    mesh = plsc.VectorSubcoreMesh(core_axis_name="c", subcore_axis_name="s")

    @functools.partial(
        pl.kernel,
        out_type=jax.ShapeDtypeStruct((bf, d), jnp.float32),
        mesh=mesh,
        scratch_types=[
            pltpu.VMEM((n_chunks, _CHUNK), jnp.int32),
            pltpu.VMEM((2, rows_per_group, d), jnp.float32),
            pltpu.SemaphoreType.DMA,
            pltpu.SemaphoreType.DMA,
        ],
        compiler_params=pltpu.CompilerParams(use_tc_tiling_on_sc=False),
    )
    def gather_kernel(idx_hbm, table_hbm, out_hbm, idx_v, rows_v, gsem, wsem):
        wid = lax.axis_index("s") * _NC + lax.axis_index("c")
        base = wid * b_per_w
        pltpu.sync_copy(idx_hbm.at[wid], idx_v)

        def fire(g, buf):
            for j in range(_GROUP):
                pltpu.async_copy(
                    table_hbm.at[idx_v.at[g * _GROUP + j]],
                    buf.at[pl.ds(j * _CHUNK, _CHUNK)],
                    gsem,
                )

        def drain(sem, b):
            pltpu.make_async_copy(
                out_hbm.at[pl.ds(base, rows_per_group)], rows_v.at[b], sem
            ).wait()

        fire(0, rows_v.at[0])

        @pl.loop(0, n_groups)
        def _(g):
            cur = g % 2
            @pl.when(g > 0)
            def _():
                drain(wsem, 1 - cur)

            @pl.when(g + 1 < n_groups)
            def _():
                fire(g + 1, rows_v.at[1 - cur])

            drain(gsem, cur)
            pltpu.async_copy(
                rows_v.at[cur],
                out_hbm.at[pl.ds(base + g * rows_per_group, rows_per_group)],
                wsem,
            )

        drain(wsem, (n_groups - 1) % 2)

    return gather_kernel


@jax.jit
def kernel(indices, table):
    b, f = indices.shape
    _, d = table.shape
    bf = b * f
    idx = indices.astype(jnp.int32).reshape(_NW, bf // (_NW * _CHUNK), _CHUNK)
    out = _build(bf, d)(idx, table)
    return out.reshape(b, f, d)

# --- scband reference (transcript-rebuilt; emitter-appended) ---
"""Pipeline reference for scband-embedding-8160437863171 (READ-ONLY COPY).

The authoritative reference and input builder live on the scoring server;
editing this copy changes nothing except your own understanding.
"""

import jax, jax.numpy as jnp
import numpy as np

NUM_EMBEDDINGS = 1000000
EMBED_DIM = 32
BATCH = 16384
FIELDS = 26

def setup_inputs(seed: int = 0) -> dict:
    key = jax.random.key(seed)
    k_idx, k_tab = jax.random.split(key)
    indices = jax.random.randint(k_idx, (BATCH, FIELDS), 0, NUM_EMBEDDINGS, dtype=jnp.int64 if jax.config.jax_enable_x64 else jnp.int32)
    table = jax.random.normal(k_tab, (NUM_EMBEDDINGS, EMBED_DIM), dtype=jnp.float32) * 0.02
    return {"indices": indices, "table": table}

def reference(indices, table):
    # Faithful nn.Embedding forward: row gather from the table
    out = jnp.take(table, indices, axis=0)  # [B, F, D]
    return out

if __name__ == "__main__":
    import jax
    _d = setup_inputs()
    print(jax.jit(kernel)(*tuple(_d.values())))

</pallas_src>

<mosaic_0001>
#map = affine_map<(d0, d1) -> (0, 0, 0)>
#map1 = affine_map<(d0, d1) -> (0, 0)>
module attributes {stable_mosaic.version = 14 : i64} {
  func.func @gather_kernel(%arg0: i32, %arg1: i32, %arg2: memref<32x104x128xi32, #tpu.memory_space<hbm>>, %arg3: memref<1000000x32xf32, #tpu.memory_space<hbm>>, %arg4: memref<425984x32xf32, #tpu.memory_space<hbm>>, %arg5: memref<104x128xi32, #tpu.memory_space<vmem>>, %arg6: memref<2x1024x32xf32, #tpu.memory_space<vmem>>, %arg7: memref<!tpu.dma_semaphore, #tpu.memory_space<semaphore_mem>>, %arg8: memref<!tpu.dma_semaphore, #tpu.memory_space<semaphore_mem>>) attributes {dimension_semantics = [#tpu.dimension_semantics<core_parallel>, #tpu.dimension_semantics<subcore_parallel>], iteration_bounds = array<i64: 2, 16>, scalar_prefetch = 0 : i64, scratch_operands = 4 : i64, tpu.core_type = #tpu.core_type<sc_vector_subcore>, window_params = [{transform_indices = #map}, {transform_indices = #map1}, {transform_indices = #map1}]} {
    %mul3A = arith.constant 2 : i32
    %mul3A_0 = arith.muli %arg1, %mul3A : i32
    %add3A = arith.addi %mul3A_0, %arg0 : i32
    %mul3A_1 = arith.constant 13312 : i32
    %mul3A_2 = arith.muli %add3A, %mul3A_1 : i32
    "tpu.region"() ({
      %run_scoped3A = tpu.sem_alloc : memref<!tpu.dma_semaphore, #tpu.memory_space<semaphore_mem>>
      %dma_start3A_138 = arith.constant 0 : i32
      %dma_start3A_139 = arith.constant 0 : i32
      %dma_start3A_140 = tpu.memref_slice %arg2[%add3A, %dma_start3A_138, %dma_start3A_139] : memref<32x104x128xi32, #tpu.memory_space<hbm>> -> memref<1x104x128xi32, #tpu.memory_space<hbm>>
      %dma_start3A_141 = tpu.memref_squeeze %dma_start3A_140 : memref<1x104x128xi32, #tpu.memory_space<hbm>> -> memref<104x128xi32, #tpu.memory_space<hbm>>
      %dma_start3A_142 = arith.constant 0 : i32
      %dma_start3A_143 = arith.constant 0 : i32
      %dma_start3A_144 = tpu.memref_slice %arg2[%add3A, %dma_start3A_142, %dma_start3A_143] : memref<32x104x128xi32, #tpu.memory_space<hbm>> -> memref<1x104x128xi32, #tpu.memory_space<hbm>>
      %dma_start3A_145 = tpu.memref_squeeze %dma_start3A_144 : memref<1x104x128xi32, #tpu.memory_space<hbm>> -> memref<104x128xi32, #tpu.memory_space<hbm>>
      tpu.enqueue_dma source(%dma_start3A_145 : memref<104x128xi32, #tpu.memory_space<hbm>>) target(%arg5 : memref<104x128xi32, #tpu.memory_space<vmem>>) target_semaphore(%run_scoped3A : memref<!tpu.dma_semaphore, #tpu.memory_space<semaphore_mem>>)
      %dma_wait3A_146 = arith.constant 0 : i32
      %dma_wait3A_147 = arith.constant 0 : i32
      %dma_wait3A_148 = tpu.memref_slice %arg2[%add3A, %dma_wait3A_146, %dma_wait3A_147] : memref<32x104x128xi32, #tpu.memory_space<hbm>> -> memref<1x104x128xi32, #tpu.memory_space<hbm>>
      %dma_wait3A_149 = tpu.memref_squeeze %dma_wait3A_148 : memref<1x104x128xi32, #tpu.memory_space<hbm>> -> memref<104x128xi32, #tpu.memory_space<hbm>>
      %dma_wait3A_150 = arith.constant 0 : i32
      %dma_wait3A_151 = arith.constant 0 : i32
      %dma_wait3A_152 = tpu.memref_slice %arg2[%add3A, %dma_wait3A_150, %dma_wait3A_151] : memref<32x104x128xi32, #tpu.memory_space<hbm>> -> memref<1x104x128xi32, #tpu.memory_space<hbm>>
      %dma_wait3A_153 = tpu.memref_squeeze %dma_wait3A_152 : memref<1x104x128xi32, #tpu.memory_space<hbm>> -> memref<104x128xi32, #tpu.memory_space<hbm>>
      tpu.wait_dma2 semaphore(%run_scoped3A : memref<!tpu.dma_semaphore, #tpu.memory_space<semaphore_mem>>) src(%dma_wait3A_153 : memref<104x128xi32, #tpu.memory_space<hbm>>) dst(%arg5 : memref<104x128xi32, #tpu.memory_space<vmem>>)
      tpu.yield
    }) : () -> ()
    %dma_start3A = arith.constant 0 : i32
    %dma_start3A_3 = arith.constant 0 : i32
    %dma_start3A_4 = arith.constant 0 : i32
    %dma_start3A_5 = arith.constant 0 : i32
    %dma_start3A_6 = tpu.memref_slice %arg6[%dma_start3A_3, %dma_start3A_4, %dma_start3A_5] : memref<2x1024x32xf32, #tpu.memory_space<vmem>> -> memref<1x1024x32xf32, #tpu.memory_space<vmem>>
    %dma_start3A_7 = tpu.memref_squeeze %dma_start3A_6 : memref<1x1024x32xf32, #tpu.memory_space<vmem>> -> memref<1024x32xf32, #tpu.memory_space<vmem>>
    %dma_start3A_8 = arith.constant 0 : i32
    %dma_start3A_9 = arith.constant 0 : i32
    %dma_start3A_10 = tpu.memref_slice %dma_start3A_7[%dma_start3A_8, %dma_start3A_9] : memref<1024x32xf32, #tpu.memory_space<vmem>> -> memref<128x32xf32, #tpu.memory_space<vmem>>
    %dma_start3A_11 = arith.constant 0 : i32
    %dma_start3A_12 = tpu.memref_slice %arg5[%dma_start3A, %dma_start3A_11] : memref<104x128xi32, #tpu.memory_space<vmem>> -> memref<1x128xi32, #tpu.memory_space<vmem>>
    %dma_start3A_13 = tpu.memref_squeeze %dma_start3A_12 : memref<1x128xi32, #tpu.memory_space<vmem>> -> memref<128xi32, #tpu.memory_space<vmem>>
    %dma_start3A_14 = arith.constant 0 : i32
    %dma_start3A_15 = arith.constant 0 : i32
    %dma_start3A_16 = tpu.memref_slice %arg3[%dma_start3A_14, %dma_start3A_15] : memref<1000000x32xf32, #tpu.memory_space<hbm>> -> memref<1000000x32xf32, #tpu.memory_space<hbm>>
    tpu.enqueue_indirect_dma source(%dma_start3A_16 : memref<1000000x32xf32, #tpu.memory_space<hbm>>) target(%dma_start3A_10 : memref<128x32xf32, #tpu.memory_space<vmem>>) offsets(%dma_start3A_13 : memref<128xi32, #tpu.memory_space<vmem>>) semaphore(%arg7 : memref<!tpu.dma_semaphore, #tpu.memory_space<semaphore_mem>>)
    %dma_start3A_17 = arith.constant 1 : i32
    %dma_start3A_18 = arith.constant 0 : i32
    %dma_start3A_19 = arith.constant 0 : i32
    %dma_start3A_20 = arith.constant 0 : i32
    %dma_start3A_21 = tpu.memref_slice %arg6[%dma_start3A_18, %dma_start3A_19, %dma_start3A_20] : memref<2x1024x32xf32, #tpu.memory_space<vmem>> -> memref<1x1024x32xf32, #tpu.memory_space<vmem>>
    %dma_start3A_22 = tpu.memref_squeeze %dma_start3A_21 : memref<1x1024x32xf32, #tpu.memory_space<vmem>> -> memref<1024x32xf32, #tpu.memory_space<vmem>>
    %dma_start3A_23 = arith.constant 128 : i32
    %dma_start3A_24 = arith.constant 0 : i32
    %dma_start3A_25 = tpu.memref_slice %dma_start3A_22[%dma_start3A_23, %dma_start3A_24] : memref<1024x32xf32, #tpu.memory_space<vmem>> -> memref<128x32xf32, #tpu.memory_space<vmem>>
    %dma_start3A_26 = arith.constant 0 : i32
    %dma_start3A_27 = tpu.memref_slice %arg5[%dma_start3A_17, %dma_start3A_26] : memref<104x128xi32, #tpu.memory_space<vmem>> -> memref<1x128xi32, #tpu.memory_space<vmem>>
    %dma_start3A_28 = tpu.memref_squeeze %dma_start3A_27 : memref<1x128xi32, #tpu.memory_space<vmem>> -> memref<128xi32, #tpu.memory_space<vmem>>
    %dma_start3A_29 = arith.constant 0 : i32
    %dma_start3A_30 = arith.constant 0 : i32
    %dma_start3A_31 = tpu.memref_slice %arg3[%dma_start3A_29, %dma_start3A_30] : memref<1000000x32xf32, #tpu.memory_space<hbm>> -> memref<1000000x32xf32, #tpu.memory_space<hbm>>
    tpu.enqueue_indirect_dma source(%dma_start3A_31 : memref<1000000x32xf32, #tpu.memory_space<hbm>>) target(%dma_start3A_25 : memref<128x32xf32, #tpu.memory_space<vmem>>) offsets(%dma_start3A_28 : memref<128xi32, #tpu.memory_space<vmem>>) semaphore(%arg7 : memref<!tpu.dma_semaphore, #tpu.memory_space<semaphore_mem>>)
    %dma_start3A_32 = arith.constant 2 : i32
    %dma_start3A_33 = arith.constant 0 : i32
    %dma_start3A_34 = arith.constant 0 : i32
    %dma_start3A_35 = arith.constant 0 : i32
    %dma_start3A_36 = tpu.memref_slice %arg6[%dma_start3A_33, %dma_start3A_34, %dma_start3A_35] : memref<2x1024x32xf32, #tpu.memory_space<vmem>> -> memref<1x1024x32xf32, #tpu.memory_space<vmem>>
    %dma_start3A_37 = tpu.memref_squeeze %dma_start3A_36 : memref<1x1024x32xf32, #tpu.memory_space<vmem>> -> memref<1024x32xf32, #tpu.memory_space<vmem>>
    %dma_start3A_38 = arith.constant 256 : i32
    %dma_start3A_39 = arith.constant 0 : i32
    %dma_start3A_40 = tpu.memref_slice %dma_start3A_37[%dma_start3A_38, %dma_start3A_39] : memref<1024x32xf32, #tpu.memory_space<vmem>> -> memref<128x32xf32, #tpu.memory_space<vmem>>
    %dma_start3A_41 = arith.constant 0 : i32
    %dma_start3A_42 = tpu.memref_slice %arg5[%dma_start3A_32, %dma_start3A_41] : memref<104x128xi32, #tpu.memory_space<vmem>> -> memref<1x128xi32, #tpu.memory_space<vmem>>
    %dma_start3A_43 = tpu.memref_squeeze %dma_start3A_42 : memref<1x128xi32, #tpu.memory_space<vmem>> -> memref<128xi32, #tpu.memory_space<vmem>>
    %dma_start3A_44 = arith.constant 0 : i32
    %dma_start3A_45 = arith.constant 0 : i32
    %dma_start3A_46 = tpu.memref_slice %arg3[%dma_start3A_44, %dma_start3A_45] : memref<1000000x32xf32, #tpu.memory_space<hbm>> -> memref<1000000x32xf32, #tpu.memory_space<hbm>>
    tpu.enqueue_indirect_dma source(%dma_start3A_46 : memref<1000000x32xf32, #tpu.memory_space<hbm>>) target(%dma_start3A_40 : memref<128x32xf32, #tpu.memory_space<vmem>>) offsets(%dma_start3A_43 : memref<128xi32, #tpu.memory_space<vmem>>) semaphore(%arg7 : memref<!tpu.dma_semaphore, #tpu.memory_space<semaphore_mem>>)
    %dma_start3A_47 = arith.constant 3 : i32
    %dma_start3A_48 = arith.constant 0 : i32
    %dma_start3A_49 = arith.constant 0 : i32
    %dma_start3A_50 = arith.constant 0 : i32
    %dma_start3A_51 = tpu.memref_slice %arg6[%dma_start3A_48, %dma_start3A_49, %dma_start3A_50] : memref<2x1024x32xf32, #tpu.memory_space<vmem>> -> memref<1x1024x32xf32, #tpu.memory_space<vmem>>
    %dma_start3A_52 = tpu.memref_squeeze %dma_start3A_51 : memref<1x1024x32xf32, #tpu.memory_space<vmem>> -> memref<1024x32xf32, #tpu.memory_space<vmem>>
    %dma_start3A_53 = arith.constant 384 : i32
    %dma_start3A_54 = arith.constant 0 : i32
    %dma_start3A_55 = tpu.memref_slice %dma_start3A_52[%dma_start3A_53, %dma_start3A_54] : memref<1024x32xf32, #tpu.memory_space<vmem>> -> memref<128x32xf32, #tpu.memory_space<vmem>>
    %dma_start3A_56 = arith.constant 0 : i32
    %dma_start3A_57 = tpu.memref_slice %arg5[%dma_start3A_47, %dma_start3A_56] : memref<104x128xi32, #tpu.memory_space<vmem>> -> memref<1x128xi32, #tpu.memory_space<vmem>>
    %dma_start3A_58 = tpu.memref_squeeze %dma_start3A_57 : memref<1x128xi32, #tpu.memory_space<vmem>> -> memref<128xi32, #tpu.memory_space<vmem>>
    %dma_start3A_59 = arith.constant 0 : i32
    %dma_start3A_60 = arith.constant 0 : i32
    %dma_start3A_61 = tpu.memref_slice %arg3[%dma_start3A_59, %dma_start3A_60] : memref<1000000x32xf32, #tpu.memory_space<hbm>> -> memref<1000000x32xf32, #tpu.memory_space<hbm>>
    tpu.enqueue_indirect_dma source(%dma_start3A_61 : memref<1000000x32xf32, #tpu.memory_space<hbm>>) target(%dma_start3A_55 : memref<128x32xf32, #tpu.memory_space<vmem>>) offsets(%dma_start3A_58 : memref<128xi32, #tpu.memory_space<vmem>>) semaphore(%arg7 : memref<!tpu.dma_semaphore, #tpu.memory_space<semaphore_mem>>)
    %dma_start3A_62 = arith.constant 4 : i32
    %dma_start3A_63 = arith.constant 0 : i32
    %dma_start3A_64 = arith.constant 0 : i32
    %dma_start3A_65 = arith.constant 0 : i32
    %dma_start3A_66 = tpu.memref_slice %arg6[%dma_start3A_63, %dma_start3A_64, %dma_start3A_65] : memref<2x1024x32xf32, #tpu.memory_space<vmem>> -> memref<1x1024x32xf32, #tpu.memory_space<vmem>>
    %dma_start3A_67 = tpu.memref_squeeze %dma_start3A_66 : memref<1x1024x32xf32, #tpu.memory_space<vmem>> -> memref<1024x32xf32, #tpu.memory_space<vmem>>
    %dma_start3A_68 = arith.constant 512 : i32
    %dma_start3A_69 = arith.constant 0 : i32
    %dma_start3A_70 = tpu.memref_slice %dma_start3A_67[%dma_start3A_68, %dma_start3A_69] : memref<1024x32xf32, #tpu.memory_space<vmem>> -> memref<128x32xf32, #tpu.memory_space<vmem>>
    %dma_start3A_71 = arith.constant 0 : i32
    %dma_start3A_72 = tpu.memref_slice %arg5[%dma_start3A_62, %dma_start3A_71] : memref<104x128xi32, #tpu.memory_space<vmem>> -> memref<1x128xi32, #tpu.memory_space<vmem>>
    %dma_start3A_73 = tpu.memref_squeeze %dma_start3A_72 : memref<1x128xi32, #tpu.memory_space<vmem>> -> memref<128xi32, #tpu.memory_space<vmem>>
    %dma_start3A_74 = arith.constant 0 : i32
    %dma_start3A_75 = arith.constant 0 : i32
    %dma_start3A_76 = tpu.memref_slice %arg3[%dma_start3A_74, %dma_start3A_75] : memref<1000000x32xf32, #tpu.memory_space<hbm>> -> memref<1000000x32xf32, #tpu.memory_space<hbm>>
    tpu.enqueue_indirect_dma source(%dma_start3A_76 : memref<1000000x32xf32, #tpu.memory_space<hbm>>) target(%dma_start3A_70 : memref<128x32xf32, #tpu.memory_space<vmem>>) offsets(%dma_start3A_73 : memref<128xi32, #tpu.memory_space<vmem>>) semaphore(%arg7 : memref<!tpu.dma_semaphore, #tpu.memory_space<semaphore_mem>>)
    %dma_start3A_77 = arith.constant 5 : i32
    %dma_start3A_78 = arith.constant 0 : i32
    %dma_start3A_79 = arith.constant 0 : i32
    %dma_start3A_80 = arith.constant 0 : i32
    %dma_start3A_81 = tpu.memref_slice %arg6[%dma_start3A_78, %dma_start3A_79, %dma_start3A_80] : memref<2x1024x32xf32, #tpu.memory_space<vmem>> -> memref<1x1024x32xf32, #tpu.memory_space<vmem>>
    %dma_start3A_82 = tpu.memref_squeeze %dma_start3A_81 : memref<1x1024x32xf32, #tpu.memory_space<vmem>> -> memref<1024x32xf32, #tpu.memory_space<vmem>>
    %dma_start3A_83 = arith.constant 640 : i32
    %dma_start3A_84 = arith.constant 0 : i32
    %dma_start3A_85 = tpu.memref_slice %dma_start3A_82[%dma_start3A_83, %dma_start3A_84] : memref<1024x32xf32, #tpu.memory_space<vmem>> -> memref<128x32xf32, #tpu.memory_space<vmem>>
    %dma_start3A_86 = arith.constant 0 : i32
    %dma_start3A_87 = tpu.memref_slice %arg5[%dma_start3A_77, %dma_start3A_86] : memref<104x128xi32, #tpu.memory_space<vmem>> -> memref<1x128xi32, #tpu.memory_space<vmem>>
    %dma_start3A_88 = tpu.memref_squeeze %dma_start3A_87 : memref<1x128xi32, #tpu.memory_space<vmem>> -> memref<128xi32, #tpu.memory_space<vmem>>
    %dma_start3A_89 = arith.constant 0 : i32
    %dma_start3A_90 = arith.constant 0 : i32
    %dma_start3A_91 = tpu.memref_slice %arg3[%dma_start3A_89, %dma_start3A_90] : memref<1000000x32xf32, #tpu.memory_space<hbm>> -> memref<1000000x32xf32, #tpu.memory_space<hbm>>
    tpu.enqueue_indirect_dma source(%dma_start3A_91 : memref<1000000x32xf32, #tpu.memory_space<hbm>>) target(%dma_start3A_85 : memref<128x32xf32, #tpu.memory_space<vmem>>) offsets(%dma_start3A_88 : memref<128xi32, #tpu.memory_space<vmem>>) semaphore(%arg7 : memref<!tpu.dma_semaphore, #tpu.memory_space<semaphore_mem>>)
    %dma_start3A_92 = arith.constant 6 : i32
    %dma_start3A_93 = arith.constant 0 : i32
    %dma_start3A_94 = arith.constant 0 : i32
    %dma_start3A_95 = arith.constant 0 : i32
    %dma_start3A_96 = tpu.memref_slice %arg6[%dma_start3A_93, %dma_start3A_94, %dma_start3A_95] : memref<2x1024x32xf32, #tpu.memory_space<vmem>> -> memref<1x1024x32xf32, #tpu.memory_space<vmem>>
    %dma_start3A_97 = tpu.memref_squeeze %dma_start3A_96 : memref<1x1024x32xf32, #tpu.memory_space<vmem>> -> memref<1024x32xf32, #tpu.memory_space<vmem>>
    %dma_start3A_98 = arith.constant 768 : i32
    %dma_start3A_99 = arith.constant 0 : i32
    %dma_start3A_100 = tpu.memref_slice %dma_start3A_97[%dma_start3A_98, %dma_start3A_99] : memref<1024x32xf32, #tpu.memory_space<vmem>> -> memref<128x32xf32, #tpu.memory_space<vmem>>
    %dma_start3A_101 = arith.constant 0 : i32
    %dma_start3A_102 = tpu.memref_slice %arg5[%dma_start3A_92, %dma_start3A_101] : memref<104x128xi32, #tpu.memory_space<vmem>> -> memref<1x128xi32, #tpu.memory_space<vmem>>
    %dma_start3A_103 = tpu.memref_squeeze %dma_start3A_102 : memref<1x128xi32, #tpu.memory_space<vmem>> -> memref<128xi32, #tpu.memory_space<vmem>>
    %dma_start3A_104 = arith.constant 0 : i32
    %dma_start3A_105 = arith.constant 0 : i32
    %dma_start3A_106 = tpu.memref_slice %arg3[%dma_start3A_104, %dma_start3A_105] : memref<1000000x32xf32, #tpu.memory_space<hbm>> -> memref<1000000x32xf32, #tpu.memory_space<hbm>>
    tpu.enqueue_indirect_dma source(%dma_start3A_106 : memref<1000000x32xf32, #tpu.memory_space<hbm>>) target(%dma_start3A_100 : memref<128x32xf32, #tpu.memory_space<vmem>>) offsets(%dma_start3A_103 : memref<128xi32, #tpu.memory_space<vmem>>) semaphore(%arg7 : memref<!tpu.dma_semaphore, #tpu.memory_space<semaphore_mem>>)
    %dma_start3A_107 = arith.constant 7 : i32
    %dma_start3A_108 = arith.constant 0 : i32
    %dma_start3A_109 = arith.constant 0 : i32
    %dma_start3A_110 = arith.constant 0 : i32
    %dma_start3A_111 = tpu.memref_slice %arg6[%dma_start3A_108, %dma_start3A_109, %dma_start3A_110] : memref<2x1024x32xf32, #tpu.memory_space<vmem>> -> memref<1x1024x32xf32, #tpu.memory_space<vmem>>
    %dma_start3A_112 = tpu.memref_squeeze %dma_start3A_111 : memref<1x1024x32xf32, #tpu.memory_space<vmem>> -> memref<1024x32xf32, #tpu.memory_space<vmem>>
    %dma_start3A_113 = arith.constant 896 : i32
    %dma_start3A_114 = arith.constant 0 : i32
    %dma_start3A_115 = tpu.memref_slice %dma_start3A_112[%dma_start3A_113, %dma_start3A_114] : memref<1024x32xf32, #tpu.memory_space<vmem>> -> memref<128x32xf32, #tpu.memory_space<vmem>>
    %dma_start3A_116 = arith.constant 0 : i32
    %dma_start3A_117 = tpu.memref_slice %arg5[%dma_start3A_107, %dma_start3A_116] : memref<104x128xi32, #tpu.memory_space<vmem>> -> memref<1x128xi32, #tpu.memory_space<vmem>>
    %dma_start3A_118 = tpu.memref_squeeze %dma_start3A_117 : memref<1x128xi32, #tpu.memory_space<vmem>> -> memref<128xi32, #tpu.memory_space<vmem>>
    %dma_start3A_119 = arith.constant 0 : i32
    %dma_start3A_120 = arith.constant 0 : i32
    %dma_start3A_121 = tpu.memref_slice %arg3[%dma_start3A_119, %dma_start3A_120] : memref<1000000x32xf32, #tpu.memory_space<hbm>> -> memref<1000000x32xf32, #tpu.memory_space<hbm>>
    tpu.enqueue_indirect_dma source(%dma_start3A_121 : memref<1000000x32xf32, #tpu.memory_space<hbm>>) target(%dma_start3A_115 : memref<128x32xf32, #tpu.memory_space<vmem>>) offsets(%dma_start3A_118 : memref<128xi32, #tpu.memory_space<vmem>>) semaphore(%arg7 : memref<!tpu.dma_semaphore, #tpu.memory_space<semaphore_mem>>)
    %scan3A = arith.constant 0 : i32
    %scan3A_122 = arith.constant 13 : i32
    %scan3A_123 = arith.addi %scan3A, %scan3A_122 : i32
    %scan3A_124 = arith.constant 1 : i32
    scf.for %scan3A_138 = %scan3A to %scan3A_123 step %scan3A_124  : i32 {
      %mul3A_139 = arith.constant 1 : i32
      %mul3A_140 = arith.muli %scan3A_138, %mul3A_139 : i32
      %add3A_141 = arith.constant 0 : i32
      %add3A_142 = arith.addi %add3A_141, %mul3A_140 : i32
      %jit3A = arith.constant 2 : i32
      %eq3A = arith.constant 0 : i32
      %eq3A_143 = arith.cmpi eq, %jit3A, %eq3A : i32
      %jit3A_144 = arith.constant 1 : i32
      %select_n3A = arith.select %eq3A_143, %jit3A_144, %jit3A : i32
      %rem3A = arith.remsi %add3A_142, %select_n3A : i32
      %ne3A = arith.constant 0 : i32
      %ne3A_145 = arith.cmpi ne, %rem3A, %ne3A : i32
      %lt3A = arith.constant 0 : i32
      %lt3A_146 = arith.cmpi slt, %rem3A, %lt3A : i32
      %lt3A_147 = arith.constant 0 : i32
      %lt3A_148 = arith.cmpi slt, %select_n3A, %lt3A_147 : i32
      %ne3A_149 = arith.xori %lt3A_146, %lt3A_148 : i1
      %and3A = arith.andi %ne3A_149, %ne3A_145 : i1
      %add3A_150 = arith.addi %rem3A, %select_n3A : i32
      %select_n3A_151 = arith.select %and3A, %add3A_150, %rem3A : i32
      %gt3A = arith.constant 0 : i32
      %gt3A_152 = arith.cmpi sgt, %add3A_142, %gt3A : i32
      %convert_element_type3A = arith.extui %gt3A_152 : i1 to i32
      %cond3A = arith.constant 0 : i32
      %cond3A_153 = arith.cmpi ne, %convert_element_type3A, %cond3A : i32
      scf.if %cond3A_153 {
        %sub3A = arith.constant 1 : i32
        %sub3A_188 = arith.subi %sub3A, %select_n3A_151 : i32
        %dma_wait3A_189 = arith.constant 0 : i32
        %dma_wait3A_190 = arith.constant 0 : i32
        %dma_wait3A_191 = tpu.memref_slice %arg6[%sub3A_188, %dma_wait3A_189, %dma_wait3A_190] : memref<2x1024x32xf32, #tpu.memory_space<vmem>> -> memref<1x1024x32xf32, #tpu.memory_space<vmem>>
        %dma_wait3A_192 = tpu.memref_squeeze %dma_wait3A_191 : memref<1x1024x32xf32, #tpu.memory_space<vmem>> -> memref<1024x32xf32, #tpu.memory_space<vmem>>
        %dma_wait3A_193 = arith.constant 0 : i32
        %dma_wait3A_194 = tpu.memref_slice %arg4[%mul3A_2, %dma_wait3A_193] : memref<425984x32xf32, #tpu.memory_space<hbm>> -> memref<1024x32xf32, #tpu.memory_space<hbm>>
        %dma_wait3A_195 = arith.constant 0 : i32
        %dma_wait3A_196 = arith.constant 0 : i32
        %dma_wait3A_197 = tpu.memref_slice %arg6[%sub3A_188, %dma_wait3A_195, %dma_wait3A_196] : memref<2x1024x32xf32, #tpu.memory_space<vmem>> -> memref<1x1024x32xf32, #tpu.memory_space<vmem>>
        %dma_wait3A_198 = tpu.memref_squeeze %dma_wait3A_197 : memref<1x1024x32xf32, #tpu.memory_space<vmem>> -> memref<1024x32xf32, #tpu.memory_space<vmem>>
        %dma_wait3A_199 = arith.constant 0 : i32
        %dma_wait3A_200 = tpu.memref_slice %arg4[%mul3A_2, %dma_wait3A_199] : memref<425984x32xf32, #tpu.memory_space<hbm>> -> memref<1024x32xf32, #tpu.memory_space<hbm>>
        tpu.wait_dma2 semaphore(%arg8 : memref<!tpu.dma_semaphore, #tpu.memory_space<semaphore_mem>>) src(%dma_wait3A_200 : memref<1024x32xf32, #tpu.memory_space<hbm>>) dst(%dma_wait3A_198 : memref<1024x32xf32, #tpu.memory_space<vmem>>)
      } else {
      }
      %add3A_154 = arith.constant 1 : i32
      %add3A_155 = arith.addi %add3A_142, %add3A_154 : i32
      %lt3A_156 = arith.constant 13 : i32
      %lt3A_157 = arith.cmpi slt, %add3A_155, %lt3A_156 : i32
      %convert_element_type3A_158 = arith.extui %lt3A_157 : i1 to i32
      %cond3A_159 = arith.constant 0 : i32
      %cond3A_160 = arith.cmpi ne, %convert_element_type3A_158, %cond3A_159 : i32
      scf.if %cond3A_160 {
        %add3A_188 = arith.constant 1 : i32
        %add3A_189 = arith.addi %add3A_142, %add3A_188 : i32
        %sub3A = arith.constant 1 : i32
        %sub3A_190 = arith.subi %sub3A, %select_n3A_151 : i32
        %mul3A_191 = arith.constant 8 : i32
        %mul3A_192 = arith.muli %add3A_189, %mul3A_191 : i32
        %add3A_193 = arith.constant 0 : i32
        %add3A_194 = arith.addi %mul3A_192, %add3A_193 : i32
        %dma_start3A_195 = arith.constant 0 : i32
        %dma_start3A_196 = arith.constant 0 : i32
        %dma_start3A_197 = tpu.memref_slice %arg6[%sub3A_190, %dma_start3A_195, %dma_start3A_196] : memref<2x1024x32xf32, #tpu.memory_space<vmem>> -> memref<1x1024x32xf32, #tpu.memory_space<vmem>>
        %dma_start3A_198 = tpu.memref_squeeze %dma_start3A_197 : memref<1x1024x32xf32, #tpu.memory_space<vmem>> -> memref<1024x32xf32, #tpu.memory_space<vmem>>
        %dma_start3A_199 = arith.constant 0 : i32
        %dma_start3A_200 = arith.constant 0 : i32
        %dma_start3A_201 = tpu.memref_slice %dma_start3A_198[%dma_start3A_199, %dma_start3A_200] : memref<1024x32xf32, #tpu.memory_space<vmem>> -> memref<128x32xf32, #tpu.memory_space<vmem>>
        %dma_start3A_202 = arith.constant 0 : i32
        %dma_start3A_203 = tpu.memref_slice %arg5[%add3A_194, %dma_start3A_202] : memref<104x128xi32, #tpu.memory_space<vmem>> -> memref<1x128xi32, #tpu.memory_space<vmem>>
        %dma_start3A_204 = tpu.memref_squeeze %dma_start3A_203 : memref<1x128xi32, #tpu.memory_space<vmem>> -> memref<128xi32, #tpu.memory_space<vmem>>
        %dma_start3A_205 = arith.constant 0 : i32
        %dma_start3A_206 = arith.constant 0 : i32
        %dma_start3A_207 = tpu.memref_slice %arg3[%dma_start3A_205, %dma_start3A_206] : memref<1000000x32xf32, #tpu.memory_space<hbm>> -> memref<1000000x32xf32, #tpu.memory_space<hbm>>
        tpu.enqueue_indirect_dma source(%dma_start3A_207 : memref<1000000x32xf32, #tpu.memory_space<hbm>>) target(%dma_start3A_201 : memref<128x32xf32, #tpu.memory_space<vmem>>) offsets(%dma_start3A_204 : memref<128xi32, #tpu.memory_space<vmem>>) semaphore(%arg7 : memref<!tpu.dma_semaphore, #tpu.memory_space<semaphore_mem>>)
        %mul3A_208 = arith.constant 8 : i32
        %mul3A_209 = arith.muli %add3A_189, %mul3A_208 : i32
        %add3A_210 = arith.constant 1 : i32
        %add3A_211 = arith.addi %mul3A_209, %add3A_210 : i32
        %dma_start3A_212 = arith.constant 0 : i32
        %dma_start3A_213 = arith.constant 0 : i32
        %dma_start3A_214 = tpu.memref_slice %arg6[%sub3A_190, %dma_start3A_212, %dma_start3A_213] : memref<2x1024x32xf32, #tpu.memory_space<vmem>> -> memref<1x1024x32xf32, #tpu.memory_space<vmem>>
        %dma_start3A_215 = tpu.memref_squeeze %dma_start3A_214 : memref<1x1024x32xf32, #tpu.memory_space<vmem>> -> memref<1024x32xf32, #tpu.memory_space<vmem>>
        %dma_start3A_216 = arith.constant 128 : i32
        %dma_start3A_217 = arith.constant 0 : i32
        %dma_start3A_218 = tpu.memref_slice %dma_start3A_215[%dma_start3A_216, %dma_start3A_217] : memref<1024x32xf32, #tpu.memory_space<vmem>> -> memref<128x32xf32, #tpu.memory_space<vmem>>
        %dma_start3A_219 = arith.constant 0 : i32
        %dma_start3A_220 = tpu.memref_slice %arg5[%add3A_211, %dma_start3A_219] : memref<104x128xi32, #tpu.memory_space<vmem>> -> memref<1x128xi32, #tpu.memory_space<vmem>>
        %dma_start3A_221 = tpu.memref_squeeze %dma_start3A_220 : memref<1x128xi32, #tpu.memory_space<vmem>> -> memref<128xi32, #tpu.memory_space<vmem>>
        %dma_start3A_222 = arith.constant 0 : i32
        %dma_start3A_223 = arith.constant 0 : i32
        %dma_start3A_224 = tpu.memref_slice %arg3[%dma_start3A_222, %dma_start3A_223] : memref<1000000x32xf32, #tpu.memory_space<hbm>> -> memref<1000000x32xf32, #tpu.memory_space<hbm>>
        tpu.enqueue_indirect_dma source(%dma_start3A_224 : memref<1000000x32xf32, #tpu.memory_space<hbm>>) target(%dma_start3A_218 : memref<128x32xf32, #tpu.memory_space<vmem>>) offsets(%dma_start3A_221 : memref<128xi32, #tpu.memory_space<vmem>>) semaphore(%arg7 : memref<!tpu.dma_semaphore, #tpu.memory_space<semaphore_mem>>)
        %mul3A_225 = arith.constant 8 : i32
        %mul3A_226 = arith.muli %add3A_189, %mul3A_225 : i32
        %add3A_227 = arith.constant 2 : i32
        %add3A_228 = arith.addi %mul3A_226, %add3A_227 : i32
        %dma_start3A_229 = arith.constant 0 : i32
        %dma_start3A_230 = arith.constant 0 : i32
        %dma_start3A_231 = tpu.memref_slice %arg6[%sub3A_190, %dma_start3A_229, %dma_start3A_230] : memref<2x1024x32xf32, #tpu.memory_space<vmem>> -> memref<1x1024x32xf32, #tpu.memory_space<vmem>>
        %dma_start3A_232 = tpu.memref_squeeze %dma_start3A_231 : memref<1x1024x32xf32, #tpu.memory_space<vmem>> -> memref<1024x32xf32, #tpu.memory_space<vmem>>
        %dma_start3A_233 = arith.constant 256 : i32
        %dma_start3A_234 = arith.constant 0 : i32
        %dma_start3A_235 = tpu.memref_slice %dma_start3A_232[%dma_start3A_233, %dma_start3A_234] : memref<1024x32xf32, #tpu.memory_space<vmem>> -> memref<128x32xf32, #tpu.memory_space<vmem>>
        %dma_start3A_236 = arith.constant 0 : i32
        %dma_start3A_237 = tpu.memref_slice %arg5[%add3A_228, %dma_start3A_236] : memref<104x128xi32, #tpu.memory_space<vmem>> -> memref<1x128xi32, #tpu.memory_space<vmem>>
        %dma_start3A_238 = tpu.memref_squeeze %dma_start3A_237 : memref<1x128xi32, #tpu.memory_space<vmem>> -> memref<128xi32, #tpu.memory_space<vmem>>
        %dma_start3A_239 = arith.constant 0 : i32
        %dma_start3A_240 = arith.constant 0 : i32
        %dma_start3A_241 = tpu.memref_slice %arg3[%dma_start3A_239, %dma_start3A_240] : memref<1000000x32xf32, #tpu.memory_space<hbm>> -> memref<1000000x32xf32, #tpu.memory_space<hbm>>
        tpu.enqueue_indirect_dma source(%dma_start3A_241 : memref<1000000x32xf32, #tpu.memory_space<hbm>>) target(%dma_start3A_235 : memref<128x32xf32, #tpu.memory_space<vmem>>) offsets(%dma_start3A_238 : memref<128xi32, #tpu.memory_space<vmem>>) semaphore(%arg7 : memref<!tpu.dma_semaphore, #tpu.memory_space<semaphore_mem>>)
        %mul3A_242 = arith.constant 8 : i32
        %mul3A_243 = arith.muli %add3A_189, %mul3A_242 : i32
        %add3A_244 = arith.constant 3 : i32
        %add3A_245 = arith.addi %mul3A_243, %add3A_244 : i32
        %dma_start3A_246 = arith.constant 0 : i32
        %dma_start3A_247 = arith.constant 0 : i32
        %dma_start3A_248 = tpu.memref_slice %arg6[%sub3A_190, %dma_start3A_246, %dma_start3A_247] : memref<2x1024x32xf32, #tpu.memory_space<vmem>> -> memref<1x1024x32xf32, #tpu.memory_space<vmem>>
        %dma_start3A_249 = tpu.memref_squeeze %dma_start3A_248 : memref<1x1024x32xf32, #tpu.memory_space<vmem>> -> memref<1024x32xf32, #tpu.memory_space<vmem>>
        %dma_start3A_250 = arith.constant 384 : i32
        %dma_start3A_251 = arith.constant 0 : i32
        %dma_start3A_252 = tpu.memref_slice %dma_start3A_249[%dma_start3A_250, %dma_start3A_251] : memref<1024x32xf32, #tpu.memory_space<vmem>> -> memref<128x32xf32, #tpu.memory_space<vmem>>
        %dma_start3A_253 = arith.constant 0 : i32
        %dma_start3A_254 = tpu.memref_slice %arg5[%add3A_245, %dma_start3A_253] : memref<104x128xi32, #tpu.memory_space<vmem>> -> memref<1x128xi32, #tpu.memory_space<vmem>>
        %dma_start3A_255 = tpu.memref_squeeze %dma_start3A_254 : memref<1x128xi32, #tpu.memory_space<vmem>> -> memref<128xi32, #tpu.memory_space<vmem>>
        %dma_start3A_256 = arith.constant 0 : i32
        %dma_start3A_257 = arith.constant 0 : i32
        %dma_start3A_258 = tpu.memref_slice %arg3[%dma_start3A_256, %dma_start3A_257] : memref<1000000x32xf32, #tpu.memory_space<hbm>> -> memref<1000000x32xf32, #tpu.memory_space<hbm>>
        tpu.enqueue_indirect_dma source(%dma_start3A_258 : memref<1000000x32xf32, #tpu.memory_space<hbm>>) target(%dma_start3A_252 : memref<128x32xf32, #tpu.memory_space<vmem>>) offsets(%dma_start3A_255 : memref<128xi32, #tpu.memory_space<vmem>>) semaphore(%arg7 : memref<!tpu.dma_semaphore, #tpu.memory_space<semaphore_mem>>)
        %mul3A_259 = arith.constant 8 : i32
        %mul3A_260 = arith.muli %add3A_189, %mul3A_259 : i32
        %add3A_261 = arith.constant 4 : i32
        %add3A_262 = arith.addi %mul3A_260, %add3A_261 : i32
        %dma_start3A_263 = arith.constant 0 : i32
        %dma_start3A_264 = arith.constant 0 : i32
        %dma_start3A_265 = tpu.memref_slice %arg6[%sub3A_190, %dma_start3A_263, %dma_start3A_264] : memref<2x1024x32xf32, #tpu.memory_space<vmem>> -> memref<1x1024x32xf32, #tpu.memory_space<vmem>>
        %dma_start3A_266 = tpu.memref_squeeze %dma_start3A_265 : memref<1x1024x32xf32, #tpu.memory_space<vmem>> -> memref<1024x32xf32, #tpu.memory_space<vmem>>
        %dma_start3A_267 = arith.constant 512 : i32
        %dma_start3A_268 = arith.constant 0 : i32
        %dma_start3A_269 = tpu.memref_slice %dma_start3A_266[%dma_start3A_267, %dma_start3A_268] : memref<1024x32xf32, #tpu.memory_space<vmem>> -> memref<128x32xf32, #tpu.memory_space<vmem>>
        %dma_start3A_270 = arith.constant 0 : i32
        %dma_start3A_271 = tpu.memref_slice %arg5[%add3A_262, %dma_start3A_270] : memref<104x128xi32, #tpu.memory_space<vmem>> -> memref<1x128xi32, #tpu.memory_space<vmem>>
        %dma_start3A_272 = tpu.memref_squeeze %dma_start3A_271 : memref<1x128xi32, #tpu.memory_space<vmem>> -> memref<128xi32, #tpu.memory_space<vmem>>
        %dma_start3A_273 = arith.constant 0 : i32
        %dma_start3A_274 = arith.constant 0 : i32
        %dma_start3A_275 = tpu.memref_slice %arg3[%dma_start3A_273, %dma_start3A_274] : memref<1000000x32xf32, #tpu.memory_space<hbm>> -> memref<1000000x32xf32, #tpu.memory_space<hbm>>
        tpu.enqueue_indirect_dma source(%dma_start3A_275 : memref<1000000x32xf32, #tpu.memory_space<hbm>>) target(%dma_start3A_269 : memref<128x32xf32, #tpu.memory_space<vmem>>) offsets(%dma_start3A_272 : memref<128xi32, #tpu.memory_space<vmem>>) semaphore(%arg7 : memref<!tpu.dma_semaphore, #tpu.memory_space<semaphore_mem>>)
        %mul3A_276 = arith.constant 8 : i32
        %mul3A_277 = arith.muli %add3A_189, %mul3A_276 : i32
        %add3A_278 = arith.constant 5 : i32
        %add3A_279 = arith.addi %mul3A_277, %add3A_278 : i32
        %dma_start3A_280 = arith.constant 0 : i32
        %dma_start3A_281 = arith.constant 0 : i32
        %dma_start3A_282 = tpu.memref_slice %arg6[%sub3A_190, %dma_start3A_280, %dma_start3A_281] : memref<2x1024x32xf32, #tpu.memory_space<vmem>> -> memref<1x1024x32xf32, #tpu.memory_space<vmem>>
        %dma_start3A_283 = tpu.memref_squeeze %dma_start3A_282 : memref<1x1024x32xf32, #tpu.memory_space<vmem>> -> memref<1024x32xf32, #tpu.memory_space<vmem>>
        %dma_start3A_284 = arith.constant 640 : i32
        %dma_start3A_285 = arith.constant 0 : i32
        %dma_start3A_286 = tpu.memref_slice %dma_start3A_283[%dma_start3A_284, %dma_start3A_285] : memref<1024x32xf32, #tpu.memory_space<vmem>> -> memref<128x32xf32, #tpu.memory_space<vmem>>
        %dma_start3A_287 = arith.constant 0 : i32
        %dma_start3A_288 = tpu.memref_slice %arg5[%add3A_279, %dma_start3A_287] : memref<104x128xi32, #tpu.memory_space<vmem>> -> memref<1x128xi32, #tpu.memory_space<vmem>>
        %dma_start3A_289 = tpu.memref_squeeze %dma_start3A_288 : memref<1x128xi32, #tpu.memory_space<vmem>> -> memref<128xi32, #tpu.memory_space<vmem>>
        %dma_start3A_290 = arith.constant 0 : i32
        %dma_start3A_291 = arith.constant 0 : i32
        %dma_start3A_292 = tpu.memref_slice %arg3[%dma_start3A_290, %dma_start3A_291] : memref<1000000x32xf32, #tpu.memory_space<hbm>> -> memref<1000000x32xf32, #tpu.memory_space<hbm>>
        tpu.enqueue_indirect_dma source(%dma_start3A_292 : memref<1000000x32xf32, #tpu.memory_space<hbm>>) target(%dma_start3A_286 : memref<128x32xf32, #tpu.memory_space<vmem>>) offsets(%dma_start3A_289 : memref<128xi32, #tpu.memory_space<vmem>>) semaphore(%arg7 : memref<!tpu.dma_semaphore, #tpu.memory_space<semaphore_mem>>)
        %mul3A_293 = arith.constant 8 : i32
        %mul3A_294 = arith.muli %add3A_189, %mul3A_293 : i32
        %add3A_295 = arith.constant 6 : i32
        %add3A_296 = arith.addi %mul3A_294, %add3A_295 : i32
        %dma_start3A_297 = arith.constant 0 : i32
        %dma_start3A_298 = arith.constant 0 : i32
        %dma_start3A_299 = tpu.memref_slice %arg6[%sub3A_190, %dma_start3A_297, %dma_start3A_298] : memref<2x1024x32xf32, #tpu.memory_space<vmem>> -> memref<1x1024x32xf32, #tpu.memory_space<vmem>>
        %dma_start3A_300 = tpu.memref_squeeze %dma_start3A_299 : memref<1x1024x32xf32, #tpu.memory_space<vmem>> -> memref<1024x32xf32, #tpu.memory_space<vmem>>
        %dma_start3A_301 = arith.constant 768 : i32
        %dma_start3A_302 = arith.constant 0 : i32
        %dma_start3A_303 = tpu.memref_slice %dma_start3A_300[%dma_start3A_301, %dma_start3A_302] : memref<1024x32xf32, #tpu.memory_space<vmem>> -> memref<128x32xf32, #tpu.memory_space<vmem>>
        %dma_start3A_304 = arith.constant 0 : i32
        %dma_start3A_305 = tpu.memref_slice %arg5[%add3A_296, %dma_start3A_304] : memref<104x128xi32, #tpu.memory_space<vmem>> -> memref<1x128xi32, #tpu.memory_space<vmem>>
        %dma_start3A_306 = tpu.memref_squeeze %dma_start3A_305 : memref<1x128xi32, #tpu.memory_space<vmem>> -> memref<128xi32, #tpu.memory_space<vmem>>
        %dma_start3A_307 = arith.constant 0 : i32
        %dma_start3A_308 = arith.constant 0 : i32
        %dma_start3A_309 = tpu.memref_slice %arg3[%dma_start3A_307, %dma_start3A_308] : memref<1000000x32xf32, #tpu.memory_space<hbm>> -> memref<1000000x32xf32, #tpu.memory_space<hbm>>
        tpu.enqueue_indirect_dma source(%dma_start3A_309 : memref<1000000x32xf32, #tpu.memory_space<hbm>>) target(%dma_start3A_303 : memref<128x32xf32, #tpu.memory_space<vmem>>) offsets(%dma_start3A_306 : memref<128xi32, #tpu.memory_space<vmem>>) semaphore(%arg7 : memref<!tpu.dma_semaphore, #tpu.memory_space<semaphore_mem>>)
        %mul3A_310 = arith.constant 8 : i32
        %mul3A_311 = arith.muli %add3A_189, %mul3A_310 : i32
        %add3A_312 = arith.constant 7 : i32
        %add3A_313 = arith.addi %mul3A_311, %add3A_312 : i32
        %dma_start3A_314 = arith.constant 0 : i32
        %dma_start3A_315 = arith.constant 0 : i32
        %dma_start3A_316 = tpu.memref_slice %arg6[%sub3A_190, %dma_start3A_314, %dma_start3A_315] : memref<2x1024x32xf32, #tpu.memory_space<vmem>> -> memref<1x1024x32xf32, #tpu.memory_space<vmem>>
        %dma_start3A_317 = tpu.memref_squeeze %dma_start3A_316 : memref<1x1024x32xf32, #tpu.memory_space<vmem>> -> memref<1024x32xf32, #tpu.memory_space<vmem>>
        %dma_start3A_318 = arith.constant 896 : i32
        %dma_start3A_319 = arith.constant 0 : i32
        %dma_start3A_320 = tpu.memref_slice %dma_start3A_317[%dma_start3A_318, %dma_start3A_319] : memref<1024x32xf32, #tpu.memory_space<vmem>> -> memref<128x32xf32, #tpu.memory_space<vmem>>
        %dma_start3A_321 = arith.constant 0 : i32
        %dma_start3A_322 = tpu.memref_slice %arg5[%add3A_313, %dma_start3A_321] : memref<104x128xi32, #tpu.memory_space<vmem>> -> memref<1x128xi32, #tpu.memory_space<vmem>>
        %dma_start3A_323 = tpu.memref_squeeze %dma_start3A_322 : memref<1x128xi32, #tpu.memory_space<vmem>> -> memref<128xi32, #tpu.memory_space<vmem>>
        %dma_start3A_324 = arith.constant 0 : i32
        %dma_start3A_325 = arith.constant 0 : i32
        %dma_start3A_326 = tpu.memref_slice %arg3[%dma_start3A_324, %dma_start3A_325] : memref<1000000x32xf32, #tpu.memory_space<hbm>> -> memref<1000000x32xf32, #tpu.memory_space<hbm>>
        tpu.enqueue_indirect_dma source(%dma_start3A_326 : memref<1000000x32xf32, #tpu.memory_space<hbm>>) target(%dma_start3A_320 : memref<128x32xf32, #tpu.memory_space<vmem>>) offsets(%dma_start3A_323 : memref<128xi32, #tpu.memory_space<vmem>>) semaphore(%arg7 : memref<!tpu.dma_semaphore, #tpu.memory_space<semaphore_mem>>)
      } else {
      }
      %dma_wait3A_161 = arith.constant 0 : i32
      %dma_wait3A_162 = arith.constant 0 : i32
      %dma_wait3A_163 = tpu.memref_slice %arg6[%select_n3A_151, %dma_wait3A_161, %dma_wait3A_162] : memref<2x1024x32xf32, #tpu.memory_space<vmem>> -> memref<1x1024x32xf32, #tpu.memory_space<vmem>>
      %dma_wait3A_164 = tpu.memref_squeeze %dma_wait3A_163 : memref<1x1024x32xf32, #tpu.memory_space<vmem>> -> memref<1024x32xf32, #tpu.memory_space<vmem>>
      %dma_wait3A_165 = arith.constant 0 : i32
      %dma_wait3A_166 = tpu.memref_slice %arg4[%mul3A_2, %dma_wait3A_165] : memref<425984x32xf32, #tpu.memory_space<hbm>> -> memref<1024x32xf32, #tpu.memory_space<hbm>>
      %dma_wait3A_167 = arith.constant 0 : i32
      %dma_wait3A_168 = arith.constant 0 : i32
      %dma_wait3A_169 = tpu.memref_slice %arg6[%select_n3A_151, %dma_wait3A_167, %dma_wait3A_168] : memref<2x1024x32xf32, #tpu.memory_space<vmem>> -> memref<1x1024x32xf32, #tpu.memory_space<vmem>>
      %dma_wait3A_170 = tpu.memref_squeeze %dma_wait3A_169 : memref<1x1024x32xf32, #tpu.memory_space<vmem>> -> memref<1024x32xf32, #tpu.memory_space<vmem>>
      %dma_wait3A_171 = arith.constant 0 : i32
      %dma_wait3A_172 = tpu.memref_slice %arg4[%mul3A_2, %dma_wait3A_171] : memref<425984x32xf32, #tpu.memory_space<hbm>> -> memref<1024x32xf32, #tpu.memory_space<hbm>>
      tpu.wait_dma2 semaphore(%arg7 : memref<!tpu.dma_semaphore, #tpu.memory_space<semaphore_mem>>) src(%dma_wait3A_172 : memref<1024x32xf32, #tpu.memory_space<hbm>>) dst(%dma_wait3A_170 : memref<1024x32xf32, #tpu.memory_space<vmem>>)
      %mul3A_173 = arith.constant 1024 : i32
      %mul3A_174 = arith.muli %add3A_142, %mul3A_173 : i32
      %add3A_175 = arith.addi %mul3A_2, %mul3A_174 : i32
      %dma_start3A_176 = arith.constant 0 : i32
      %dma_start3A_177 = arith.constant 0 : i32
      %dma_start3A_178 = tpu.memref_slice %arg6[%select_n3A_151, %dma_start3A_176, %dma_start3A_177] : memref<2x1024x32xf32, #tpu.memory_space<vmem>> -> memref<1x1024x32xf32, #tpu.memory_space<vmem>>
      %dma_start3A_179 = tpu.memref_squeeze %dma_start3A_178 : memref<1x1024x32xf32, #tpu.memory_space<vmem>> -> memref<1024x32xf32, #tpu.memory_space<vmem>>
      %dma_start3A_180 = arith.constant 0 : i32
      %dma_start3A_181 = tpu.memref_slice %arg4[%add3A_175, %dma_start3A_180] : memref<425984x32xf32, #tpu.memory_space<hbm>> -> memref<1024x32xf32, #tpu.memory_space<hbm>>
      %dma_start3A_182 = arith.constant 0 : i32
      %dma_start3A_183 = tpu.memref_slice %arg4[%add3A_175, %dma_start3A_182] : memref<425984x32xf32, #tpu.memory_space<hbm>> -> memref<1024x32xf32, #tpu.memory_space<hbm>>
      %dma_start3A_184 = arith.constant 0 : i32
      %dma_start3A_185 = arith.constant 0 : i32
      %dma_start3A_186 = tpu.memref_slice %arg6[%select_n3A_151, %dma_start3A_184, %dma_start3A_185] : memref<2x1024x32xf32, #tpu.memory_space<vmem>> -> memref<1x1024x32xf32, #tpu.memory_space<vmem>>
      %dma_start3A_187 = tpu.memref_squeeze %dma_start3A_186 : memref<1x1024x32xf32, #tpu.memory_space<vmem>> -> memref<1024x32xf32, #tpu.memory_space<vmem>>
      tpu.enqueue_dma source(%dma_start3A_187 : memref<1024x32xf32, #tpu.memory_space<vmem>>) target(%dma_start3A_183 : memref<1024x32xf32, #tpu.memory_space<hbm>>) target_semaphore(%arg8 : memref<!tpu.dma_semaphore, #tpu.memory_space<semaphore_mem>>)
    }
    %scan3A_125 = arith.constant 13 : i32
    %dma_wait3A = arith.constant 0 : i32
    %dma_wait3A_126 = arith.constant 0 : i32
    %dma_wait3A_127 = arith.constant 0 : i32
    %dma_wait3A_128 = tpu.memref_slice %arg6[%dma_wait3A, %dma_wait3A_126, %dma_wait3A_127] : memref<2x1024x32xf32, #tpu.memory_space<vmem>> -> memref<1x1024x32xf32, #tpu.memory_space<vmem>>
    %dma_wait3A_129 = tpu.memref_squeeze %dma_wait3A_128 : memref<1x1024x32xf32, #tpu.memory_space<vmem>> -> memref<1024x32xf32, #tpu.memory_space<vmem>>
    %dma_wait3A_130 = arith.constant 0 : i32
    %dma_wait3A_131 = tpu.memref_slice %arg4[%mul3A_2, %dma_wait3A_130] : memref<425984x32xf32, #tpu.memory_space<hbm>> -> memref<1024x32xf32, #tpu.memory_space<hbm>>
    %dma_wait3A_132 = arith.constant 0 : i32
    %dma_wait3A_133 = arith.constant 0 : i32
    %dma_wait3A_134 = tpu.memref_slice %arg6[%dma_wait3A, %dma_wait3A_132, %dma_wait3A_133] : memref<2x1024x32xf32, #tpu.memory_space<vmem>> -> memref<1x1024x32xf32, #tpu.memory_space<vmem>>
    %dma_wait3A_135 = tpu.memref_squeeze %dma_wait3A_134 : memref<1x1024x32xf32, #tpu.memory_space<vmem>> -> memref<1024x32xf32, #tpu.memory_space<vmem>>
    %dma_wait3A_136 = arith.constant 0 : i32
    %dma_wait3A_137 = tpu.memref_slice %arg4[%mul3A_2, %dma_wait3A_136] : memref<425984x32xf32, #tpu.memory_space<hbm>> -> memref<1024x32xf32, #tpu.memory_space<hbm>>
    tpu.wait_dma2 semaphore(%arg8 : memref<!tpu.dma_semaphore, #tpu.memory_space<semaphore_mem>>) src(%dma_wait3A_137 : memref<1024x32xf32, #tpu.memory_space<hbm>>) dst(%dma_wait3A_135 : memref<1024x32xf32, #tpu.memory_space<vmem>>)
    return
  }
}

</mosaic_0001>

<sc_bundles>
// kernel: kernel.3.cloned.1.call-start
scs
__scs_entry_jumppad:
0x0: {  	(pc) =	sbr.rel $0x88, $3  }
0x1: {  	(tag) =	ssettag $0x0;
	lr =	simm.s32 $0x1  }
0x2: {  	[smem:$0x3F9F] =	sst lr;
	_ =	strace $0xD0000000  }
0x3: {  	_ = 	snop  }
0x4: {  	_ = 	snop  }
0x5: {  	_ = 	snop  }
0x6: {  	_ = 	snop  }
0x7: {  	_ = 	snop  }
__scs_overlays_trampoline_lowered:
0x8: {  	[smem:$0x3FAE] =	sst s0  }
0x9: {  	[smem:$0x3FAF] =	sst s1  }
0xa: {  	[smem:$0x3FB0] =	sst s2  }
0xb: {  	[smem:$0x3FB1] =	sst s3  }
0xc: {  	[smem:$0x3FB2] =	sst s4  }
0xd: {  	[smem:$0x3FB3] =	sst s5  }
0xe: {  	[smem:$0x3FB4] =	sst s6  }
0xf: {  	[smem:$0x3FB5] =	sst s7  }
0x10: {  	[smem:$0x3FB6] =	sst s8  }
0x11: {  	[smem:$0x3FB7] =	sst s9;
	s0 =	simm.s32 @!p0 $0x0  }
0x12: {  	s1 =	sld [smem:$0x3F9D];
	s0 =	simm.s32 @p0 $0x1  }
0x13: {  	[smem:$0x3FB8] =	sst s0;
	s0 =	simm.s32 @!p1 $0x0  }
0x14: {  	s2 =	sld [smem:$0x3F9C];
	s0 =	simm.s32 @p1 $0x1  }
0x15: {  	[smem:$0x3FB9] =	sst s0;
	s0 =	simm.s32 @!p2 $0x0  }
0x16: {  	s3 =	sld [smem:$0x3FDB];
	s0 =	simm.s32 @p2 $0x1  }
0x17: {  	s4 =	simm.s32 $0x1BF5;
	[smem:$0x3FBB] =	sst s0  }
0x18: {  	s0 =	sld [smem:$0x3F9E];
	_ =	swait.ge [sflag:s4], $0x0  }
0x19: {  	s7 =	sld [smem:$0x3F9F]  }
0x1a: {  	s8 =	sadd.s32 $0xFFFFE003, lr  }
0x1b: {  	s9 =	sadd.s32 $0xFFFFFEF7, lr;
	s5 =	simm.s32 $0xFFFFFFFF;
	p2 =	slt.u32 s8, $0xFFFFF086  }
0x1c: {  	p1 =	slt.u32 s9, $0xF7A;
	s5 =	simm.s32 @!p2 $0x0  }
0x1d: {  	s5 =	simm.s32 @p1 $0x1;
	p0 =	seq.s32 s7, s2  }
0x1e: {  	s7 =	smul.u32 @!p0 $0xF7A, s2;
	p2 =	seq.s32 @!p0 s5, $0x0  }
0x1f: {  	s9 =	smul.u32 $0xF7A, s1;
	s8 =	simm.s32 @!p0 $0x1BF5;
	p2 =	por !p2, p0  }
0x20: {  	[sflag:s8] =	ssyncset.s32 @!p0 $0xFFFFF086;
	s6 =	sadd.s32 @!p0 s3, s7;
	s7 =	simm.s32 @!p0 $0x108  }
0x21: {  	s3 =	sadd.s32 s3, s9;
	s6 =	sadd.s32 @!p0 $0x88, s6;
	s7 =	simm.s32 @p2 $0x1082  }
0x22: {  	[simem:s7], [sflag:s8] =	dma.local @!p0 [hbm:s6], $0xF7A  }
0x23: {  	s9 =	sor.u32 $0xD0000000, s2;
	s6 =	simm.s32 $0x108;
	_ =	swait.ge @!p0 [sflag:s8], $0x0  }
0x24: {  	s3 =	sadd.s32 $0x88, s3;
	s6 =	simm.s32 @!p1 $0x1082;
	[sflag:s4] =	ssyncset.s32 $0xFFFFF086  }
0x25: {  	[simem:s6], [sflag:s4] =	dma.local [hbm:s3], $0xF7A  }
0x26: {  	[smem:$0x3F9F] =	sst s1;
	(tag) =	ssettag s2;
	_ =	strace s9  }
0x27: {  	s1 =	sld [smem:$0x3FAF]  }
0x28: {  	s2 =	sld [smem:$0x3FB0]  }
0x29: {  	s4 =	sld [smem:$0x3FB2]  }
0x2a: {  	p0 =	seq.s32 s5, $0x0;
	s5 =	sld [smem:$0x3FB3]  }
0x2b: {  	s6 =	sld [smem:$0x3FB4]  }
0x2c: {  	s7 =	sld [smem:$0x3FB5]  }
0x2d: {  	s3 =	simm.s32 $0x108;
	s8 =	sld [smem:$0x3FB6]  }
0x2e: {  	s3 =	simm.s32 @!p0 $0x1082;
	s9 =	sld [smem:$0x3FB7]  }
0x2f: {  	lr =	sadd.s32 s0, s3;
	s0 =	sld [smem:$0x3FAE]  }
0x30: {  	s3 =	sld [smem:$0x3FB1]  }
0x31: {  	[smem:$0x3FBA] =	sst s10  }
0x32: {  	s10 =	sld [smem:$0x3FB8];
	_ =	sdelay $0x3  }
0x33: {  	p0 =	seq.s32 s10, $0x1;
	s10 =	sld [smem:$0x3FBA];
	_ =	sdelay $0x3  }
0x34: {  	[smem:$0x3FBA] =	sst s10  }
0x35: {  	s10 =	sld [smem:$0x3FB9];
	_ =	sdelay $0x3  }
0x36: {  	p1 =	seq.s32 s10, $0x1;
	s10 =	sld [smem:$0x3FBA];
	_ =	sdelay $0x3  }
0x37: {  	[smem:$0x3FBA] =	sst s10  }
0x38: {  	s10 =	sld [smem:$0x3FBB]  }
0x39: {  	_ = 	snop;
	(pc) =	sbr.ind lr, $3  }
0x3a: {  	_ = 	snop  }
0x3b: {  	_ = 	snop  }
0x3c: {  	p2 =	seq.s32 s10, $0x1;
	s10 =	sld [smem:$0x3FBA]  }
0x3d: {  	_ =	shalt  }
0x3e: {  	_ =	shalt  }
0x3f: {  	_ =	shalt  }
0x40: {  	_ =	shalt  }
0x41: {  	_ =	shalt  }
0x42: {  	_ =	shalt  }
0x43: {  	_ =	shalt  }
0x44: {  	_ =	shalt  }
0x45: {  	_ =	shalt  }
0x46: {  	_ =	shalt  }
0x47: {  	_ =	shalt  }
0x48: {  	_ =	shalt  }
0x49: {  	_ =	shalt  }
0x4a: {  	_ =	shalt  }
0x4b: {  	_ =	shalt  }
0x4c: {  	_ =	shalt  }
0x4d: {  	_ =	shalt  }
0x4e: {  	_ =	shalt  }
0x4f: {  	_ =	shalt  }
0x50: {  	_ =	shalt  }
0x51: {  	_ =	shalt  }
0x52: {  	_ =	shalt  }
0x53: {  	_ =	shalt  }
0x54: {  	_ =	shalt  }
0x55: {  	_ =	shalt  }
0x56: {  	_ =	shalt  }
0x57: {  	_ =	shalt  }
0x58: {  	_ =	shalt  }
0x59: {  	_ =	shalt  }
0x5a: {  	_ =	shalt  }
0x5b: {  	_ =	shalt  }
0x5c: {  	_ =	shalt  }
0x5d: {  	_ =	shalt  }
0x5e: {  	_ =	shalt  }
0x5f: {  	_ =	shalt  }
0x60: {  	_ =	shalt  }
0x61: {  	_ =	shalt  }
0x62: {  	_ =	shalt  }
0x63: {  	_ =	shalt  }
0x64: {  	_ =	shalt  }
0x65: {  	_ =	shalt  }
0x66: {  	_ =	shalt  }
0x67: {  	_ =	shalt  }
0x68: {  	_ =	shalt  }
0x69: {  	_ =	shalt  }
0x6a: {  	_ =	shalt  }
0x6b: {  	_ =	shalt  }
0x6c: {  	_ =	shalt  }
0x6d: {  	_ =	shalt  }
0x6e: {  	_ =	shalt  }
0x6f: {  	_ =	shalt  }
0x70: {  	_ =	shalt  }
0x71: {  	_ =	shalt  }
0x72: {  	_ =	shalt  }
0x73: {  	_ =	shalt  }
0x74: {  	_ =	shalt  }
0x75: {  	_ =	shalt  }
0x76: {  	_ =	shalt  }
0x77: {  	_ =	shalt  }
0x78: {  	_ =	shalt  }
0x79: {  	_ =	shalt  }
0x7a: {  	_ =	shalt  }
0x7b: {  	_ =	shalt  }
0x7c: {  	_ =	shalt  }
0x7d: {  	_ =	shalt  }
0x7e: {  	_ =	shalt  }
0x7f: {  	_ =	shalt  }
0x80: {  	_ =	shalt  }
0x81: {  	_ =	shalt  }
0x82: {  	_ =	shalt  }
0x83: {  	_ =	shalt  }
0x84: {  	_ =	shalt  }
0x85: {  	_ =	shalt  }
0x86: {  	_ =	shalt  }
0x87: {  	_ =	shalt  }
.Lfunc_end0:
.L_simem_size_0:
called_computation.1_lowered:
.L_overlay_start_0:
0x88: {  	s2 =	sld [smem:$0x3FD9]  }
0x89: {  	s3 =	sld [smem:$0x3FFE];
	_ =	sdelay $0x1  }
0x8a: {  	s1 =	srdreg.scid  }
0x8b: {  	s0 =	sand.u32 $0x1, s1  }
0x8c: {  	s17 =	sshll.u32 s0, $0xA;
	s2 =	sadd.s32 s3, s2  }
0x8d: {  	s2 =	sadd.s32 s2, s17  }
0x8e: {  	[smem:$0x3FC6] =	sst s2  }
0x8f: {  	_ = 	snop  }
0x90: {  	s2 =	sld [smem:$0x3FD0];
	(tm) =	ssettm $0x1  }
0x91: {  	s18 =	sld [smem:$0x3FFB];
	_ =	sdelay $0x3  }
0x92: {  	_ =	strace s18  }
0x93: {  	s3 =	sld [smem:$0x3FFC];
	_ =	sdelay $0x3  }
0x94: {  	_ =	strace s3  }
0x95: {  	s3 =	sld [smem:$0x3FFD];
	_ =	sdelay $0x3  }
0x96: {  	_ =	strace s3  }
0x97: {  	_ =	strace $0x8FFFFFFF  }
0x98: {  	s19 =	sld [smem:$0x3FDB];
	_ =	sdelay $0x1  }
0x99: {  	s4 =	simm.s32 $_scs_section_size  }
0x9a: {  	s5 =	simm.s32 $_size__tile_overlayer_lowered;
	s6 =	simm.s32 $_tile_overlayer_lowered  }
0x9b: {  	s22 =	simm.s32 $0x1BFF;
	s21 =	sshll.u32 s6, $0x1;
	s3 =	sadd.s32 s4, s19  }
0x9c: {  	s7 =	simm.s32 $0x0;
	s20 =	sshll.u32 s5, $0x1;
	s5 =	sadd.s32 s21, s3  }
0x9d: {  	[timem:s7], [sflag:s22] =	dma.local [hbm:s5], s20  }
0x9e: {  	_ =	swait.ge [sflag:s22], s20  }
0x9f: {  	s4 =	ssub.s32 $0x0, s20;
	[sflag:s22] =	ssyncset.done $0x0  }
0xa0: {  	[sflag:s22] =	ssyncadd.s32 s4;
	_ =	sdelay $0x1  }
0xa1: {  	s23 =	simm.s32 $0x1B8B  }
0xa2: {  	_ =	swait.ge [sflag:s23], $0x1  }
0xa3: {  	[sflag:s23] =	ssyncset.done $0x0  }
0xa4: {  	s25 =	simm.s32 $0x1B8E;
	s24 =	sld [smem:$0x3FFE];
	[sflag:s23] =	ssyncadd.s32 $0xFFFFFFFF  }
0xa5: {  	s26 =	simm.s32 $execute0_lowered;
	[smem:$0x3FD2] =	sst s25  }
0xa6: {  	s5 =	sshll.u32 s26, $0x1;
	_ =	strace $0x80000046;
	[dreg:$0x1] =	wrdreg $0xFFFFFFFF  }
0xa7: {  	s28 =	simm.s32 $_size_execute0_lowered;
	s3 =	sadd.s32 s3, s5;
	[dreg:$0x0] =	wrdreg $0x0  }
0xa8: {  	s5 =	sshll.u32 s28, $0x1;
	[dreg:$0x2] =	wrdreg s3  }
0xa9: {  	[dreg:$0x3] =	wrdreg s5  }
0xaa: {  	[dreg:$0x4] =	wrdreg $0xC0  }
0xab: {  	_ =	task [dreg:s7], $0x5FFFF  }
0xac: {  	[dreg:$0x1] =	wrdreg $0xFFFFFFFF  }
0xad: {  	[dreg:$0x0] =	wrdreg $0x60  }
0xae: {  	[dreg:$0x2] =	wrdreg s24  }
0xaf: {  	[dreg:$0x3] =	wrdreg s2  }
0xb0: {  	[dreg:$0x4] =	wrdreg $0x9  }
0xb1: {  	_ =	task.clear_ibuf [dreg:s7], $0x5FFFF;
	_ =	strace $0x90000046  }
0xb2: {  	s29 =	simm.s32 $0x9;
	_ =	strace $0x80000048  }
0xb3: {  	_ =	swait.ge [sflag:s29], $0x1  }
0xb4: {  	[sflag:s29] =	ssyncadd.s32 $0xFFFFFFFF  }
0xb5: {  	_ =	strace $0x90000048  }
0xb6: {  	_ =	sfence  }
0xb7: {  	s30 =	sld [smem:$0x0];
	_ =	sdelay $0x2  }
0xb8: {  	s31 =	sshll.u32 s1, $0xD;
	s1 =	sshrl.u32 s1, $0x2  }
0xb9: {  	s3 =	sand.u32 $0x4000, s31;
	s1 =	sadd.s32 s1, s30  }
0xba: {  	s0 =	sor.u32 s3, s0;
	s1 =	sshll.u32 s1, $0x11  }
0xbb: {  	s0 =	sor.u32 s1, s0  }
0xbc: {  	s0 =	sadd.s32 $0x8F2B, s0  }
0xbd: {  	[sflag:s0] =	ssyncadd.remote.s32 $0x1  }
0xbe: {  	_ =	sfence.sel $0xFFFF  }
0xbf: {  	[dreg:$0x0] =	wrdreg $0xFFFFFFFF;
	(pc) =	sbr.abs _section_cstart, $3  }
0xc0: {  	[dreg:$0x1] =	wrdreg $0xFFFFFFFF  }
0xc1: {  	_ =	task.clear_ibuf [dreg:s7], $0x2FFFF;
	_ =	strace $0x9FFFFFFF  }
0xc2: {  	(tm) =	ssettm $0x7FFFFFFF  }
0xc3: {  	_ =	shalt  }
tec
execute0_lowered:
.L_overlay_start_1:
0x0: {  	(tag) =	ssettag $0x1  }
0x1: {  	s1 =	srdreg.scid;
	s4 =	rddreg [dreg:$0x0]  }
0x2: {  	s0 =	stileid.u32;
	s2 =	rddreg [dreg:$0x1];
	s3 =	simm.s32 $0x0  }
0x3: {  	s9 =	simm.s32 $0x80;
	s11 =	simm.s32 $0x4400;
	s12 =	simm.s32 $0x100  }
0x4: {  	s13 =	simm.s32 $0x5400;
	s14 =	simm.s32 $0x180;
	s15 =	simm.s32 $0x6400  }
0x5: {  	s16 =	simm.s32 $0x200;
	s17 =	simm.s32 $0x7400;
	s18 =	simm.s32 $0x280  }
0x6: {  	s19 =	simm.s32 $0x8400;
	s20 =	simm.s32 $0x300;
	s21 =	simm.s32 $0x9400  }
0x7: {  	s22 =	simm.s32 $0x380;
	s23 =	simm.s32 $0xA400;
	s24 =	simm.s32 $0x1  }
0x8: {  	s25 =	simm.s32 $0x2;
	s5 =	sand.u32 $0x1, s1;
	s31 =	sshll.u32 s0, $0x1  }
.Ltmp0:
0x9: {  	s26 =	simm.s32 $0x0;
	s6 =	sor.u32 s5, s31;
	(pc) =	sbr.rel .LBB2_1-.Ltmp0, $4  }
0xa: {  	[smem:$0x7FF] =	sst s3;
	s5 =	ssub.s32 $0x2, s5;
	s7 =	smul.u32 $0x680, s6  }
0xb: {  	_ =	strace $0x80000047;
	s8 =	sshrl.u32 s5, $0x1;
	s6 =	smul.u32 $0x68000, s6  }
0xc: {  	s8 =	ssub.s32 s5, s8;
	s7 =	sadd.s32 s7, s4;
	s4 =	sadd.s32 $0xF42E00, s4  }
0xd: {  	s5 =	sadd.s32 $0xA00, s7;
	s7 =	smax.u32 s8, $0x1;
	s8 =	simm.s32 $0x3  }
.LBB2_5:
0xe: {  	s26 =	sadd.s32 $0x1, s26  }
0xf: {  	p0 =	sne.s32 s26, s7  }
.Ltmp1:
0x10: {  	_ = 	snop;
	(pc) =	sbr.rel @!p0 .LBB2_6-.Ltmp1, $4  }
0x11: {  	_ = 	snop  }
0x12: {  	_ =	swait.ge [sflag:s25], $0x8000  }
0x13: {  	[sflag:s25] =	ssyncset.done $0x0  }
0x14: {  	[sflag:s25] =	ssyncadd.s32 $0xFFFF8000  }
.LBB2_1:
0x15: {  	[tilespmem:s3], [sflag:$0x3] =	stream.linear.gather [hbm4b:s5+s3], $0x3400, $0x38;
	[tilespmem:$0x13400] =	vst v63  }
0x16: {  	_ =	swait.ge [sflag:s8], $0x3400  }
0x17: {  	[sflag:s8] =	ssyncset.done $0x0  }
0x18: {  	s0 =	simm.s32 $0x3400;
	[sflag:s8] =	ssyncadd.s32 $0xFFFFCC00  }
0x19: {  	[tilespmem:s0], [sflag:$0x1] =	stream.indirect.gather [hbm4b:s4+s9], $0x20, s3, s9, $0xb8;
	[tilespmem:$0x13400] =	vst v63  }
0x1a: {  	_ = 	snop  }
0x1b: {  	[tilespmem:s11], [sflag:$0x1] =	stream.indirect.gather [hbm4b:s4+s9], $0x20, s9, s9, $0xb8;
	[tilespmem:$0x13400] =	vst v63  }
0x1c: {  	_ = 	snop  }
0x1d: {  	[tilespmem:s13], [sflag:$0x1] =	stream.indirect.gather [hbm4b:s4+s9], $0x20, s12, s9, $0xb8;
	[tilespmem:$0x13400] =	vst v63  }
0x1e: {  	_ = 	snop  }
0x1f: {  	[tilespmem:s15], [sflag:$0x1] =	stream.indirect.gather [hbm4b:s4+s9], $0x20, s14, s9, $0xb8;
	[tilespmem:$0x13400] =	vst v63  }
0x20: {  	_ = 	snop  }
0x21: {  	[tilespmem:s17], [sflag:$0x1] =	stream.indirect.gather [hbm4b:s4+s9], $0x20, s16, s9, $0xb8;
	[tilespmem:$0x13400] =	vst v63  }
0x22: {  	_ = 	snop  }
0x23: {  	[tilespmem:s19], [sflag:$0x1] =	stream.indirect.gather [hbm4b:s4+s9], $0x20, s18, s9, $0xb8;
	[tilespmem:$0x13400] =	vst v63  }
.Ltmp2:
0x24: {  	_ = 	snop;
	(pc) =	sbr.rel .LBB2_2-.Ltmp2, $4  }
0x25: {  	_ = 	snop  }
0x26: {  	[tilespmem:s21], [sflag:$0x1] =	stream.indirect.gather [hbm4b:s4+s9], $0x20, s20, s9, $0xb8;
	[tilespmem:$0x13400] =	vst v63  }
0x27: {  	s28 =	simm.s32 $0x0  }
0x28: {  	[tilespmem:s23], [sflag:$0x1] =	stream.indirect.gather [hbm4b:s4+s9], $0x20, s22, s9, $0xb8;
	[tilespmem:$0x13400] =	vst v63  }
.LBB2_4:
0x29: {  	p0 =	slt.u32 s29, $0xD  }
.Ltmp3:
0x2a: {  	s0 =	sshll.u32 s28, $0xF;
	(pc) =	sbr.rel @!p0 .LBB2_5-.Ltmp3, $4  }
0x2b: {  	_ =	swait.ge [sflag:s24], $0x8000;
	s1 =	sshll.u32 s30, $0xF;
	s0 =	sadd.s32 s6, s0  }
0x2c: {  	s28 =	smov.u32 s29;
	[sflag:s24] =	ssyncset.done $0x0;
	s0 =	sshrl.u32 s0, $0x3  }
0x2d: {  	s1 =	sor.u32 $0x3400, s1;
	[sflag:s24] =	ssyncadd.s32 $0xFFFF8000;
	s0 =	sadd.s32 s2, s0  }
0x2e: {  	[hbm4b:s0+s3] =	stream.linear.scatter [tilespmem:s1], [sflag:$0x2], $0x8000, $0x38;
	[tilespmem:$0x13400] =	vst v63  }
.LBB2_2:
0x2f: {  	p0 =	seq.s32 s28, $0x0  }
0x30: {  	p1 =	seq.s32 @!p0 s28, $0xC  }
0x31: {  	p1 =	por p0, !p1  }
.Ltmp4:
0x32: {  	_ = 	snop;
	(pc) =	sbr.rel @!p1 .LBB2_4-.Ltmp4, $4  }
0x33: {  	s29 =	simm.s32 @!p0 $0x2  }
0x34: {  	_ =	swait.ge @!p0 [sflag:s29], $0x8000  }
0x35: {  	[sflag:s29] =	ssyncset.done @!p0 $0x0  }
0x36: {  	s30 =	sand.u32 $0x1, s28;
	[sflag:s29] =	ssyncadd.s32 @!p0 $0xFFFF8000;
	s29 =	simm.s32 @!p0 $0xD  }
0x37: {  	s29 =	sadd.s32 @!p0 $0x1, s28  }
0x38: {  	s31 =	sshll.u32 s30, $0xF;
	s29 =	simm.s32 @p0 $0x1  }
0x39: {  	s31 =	sxor.u32 $0x8000, s31;
	s1 =	sshll.u32 s29, $0xA  }
0x3a: {  	s0 =	sor.u32 $0x3400, s31;
	s1 =	sand.u32 $0x3FFFFC00, s1  }
0x3b: {  	[tilespmem:s0], [sflag:$0x1] =	stream.indirect.gather [hbm4b:s4+s9], $0x20, s1, s9, $0xb8;
	[tilespmem:$0x13400] =	vst v63  }
0x3c: {  	s0 =	sor.u32 $0x4400, s31;
	s10 =	sor.u32 $0x80, s1  }
0x3d: {  	[tilespmem:s0], [sflag:$0x1] =	stream.indirect.gather [hbm4b:s4+s9], $0x20, s10, s9, $0xb8;
	[tilespmem:$0x13400] =	vst v63  }
0x3e: {  	s0 =	sor.u32 $0x5400, s31;
	s10 =	sor.u32 $0x100, s1  }
0x3f: {  	[tilespmem:s0], [sflag:$0x1] =	stream.indirect.gather [hbm4b:s4+s9], $0x20, s10, s9, $0xb8;
	[tilespmem:$0x13400] =	vst v63  }
0x40: {  	s0 =	sor.u32 $0x6400, s31;
	s10 =	sor.u32 $0x180, s1  }
0x41: {  	[tilespmem:s0], [sflag:$0x1] =	stream.indirect.gather [hbm4b:s4+s9], $0x20, s10, s9, $0xb8;
	[tilespmem:$0x13400] =	vst v63  }
0x42: {  	s0 =	sor.u32 $0x7400, s31;
	s10 =	sor.u32 $0x200, s1  }
0x43: {  	[tilespmem:s0], [sflag:$0x1] =	stream.indirect.gather [hbm4b:s4+s9], $0x20, s10, s9, $0xb8;
	[tilespmem:$0x13400] =	vst v63  }
0x44: {  	s0 =	sadd.s32 $0x8400, s31;
	s10 =	sor.u32 $0x280, s1  }
0x45: {  	[tilespmem:s0], [sflag:$0x1] =	stream.indirect.gather [hbm4b:s4+s9], $0x20, s10, s9, $0xb8;
	[tilespmem:$0x13400] =	vst v63  }
.Ltmp5:
0x46: {  	_ = 	snop;
	(pc) =	sbr.rel .LBB2_4-.Ltmp5, $4  }
0x47: {  	s0 =	sadd.s32 $0x9400, s31;
	s10 =	sor.u32 $0x300, s1  }
0x48: {  	[tilespmem:s0], [sflag:$0x1] =	stream.indirect.gather [hbm4b:s4+s9], $0x20, s10, s9, $0xb8;
	[tilespmem:$0x13400] =	vst v63  }
0x49: {  	s31 =	sadd.s32 $0xA400, s31;
	s1 =	sor.u32 $0x380, s1  }
0x4a: {  	[tilespmem:s31], [sflag:$0x1] =	stream.indirect.gather [hbm4b:s4+s9], $0x20, s1, s9, $0xb8;
	[tilespmem:$0x13400] =	vst v63  }
.LBB2_6:
0x4b: {  	_ =	sfence.sel $0x180000  }
0x4c: {  	[bflag:$0x0] =	sbarrier.arrive $0xFFFF  }
0x4d: {  	_ =	strace $0x90000047  }
0x4e: {  	s0 =	stileid.u32;
	[bflag:$0x2] =	sbarrier.arrive $0xFFFF  }
0x4f: {  	p0 =	sne.s32 s0, $0x0;
	s0 =	rddreg [dreg:$0x2]  }
0x50: {  	s0 =	sadd.s32 @!p0 $0x100000, s0  }
0x51: {  	[sflag:s0] =	ssyncadd.tile.s32 @!p0 $0x1;
	_ =	shalt  }
.Lfunc_end2:
_tile_overlayer_lowered:
.L_overlay_start_2:
0x52: {  	(tag) =	ssettag $0x2  }
0x53: {  	s0 =	rddreg [dreg:$0x0];
	s2 =	stileid.u32  }
0x54: {  	s1 =	rddreg [dreg:$0x1];
	p0 =	sne.s32 s2, $0x0  }
0x55: {  	s3 =	rddreg [dreg:$0x2];
	[bflag:$0x3] =	sbarrier.arrive $0xFFFF;
	s2 =	simm.s32 @!p0 $0x1C03  }
0x56: {  	[timem:s3], [sflag:s2] =	dma.local @!p0 [hbm:s0], s1  }
0x57: {  	s0 =	simm.s32 @!p0 $0x3  }
0x58: {  	_ =	swait.ge @!p0 [sflag:s0], s1  }
0x59: {  	s1 =	ssub.s32 @!p0 $0x0, s1;
	[sflag:s0] =	ssyncset.done @!p0 $0x0  }
0x5a: {  	[sflag:s0] =	ssyncadd.s32 @!p0 s1  }
0x5b: {  	[bflag:$0x3] =	sbarrier.arrive $0xFFFF  }
0x5c: {  	_ =	shalt  }

// kernel: sparse-core-data-format-call.cloned.1.call-start
scs
called_computation_lowered:
.L_overlay_start_0:
0x0: {  	s2 =	sld [smem:$0x3FD9]  }
0x1: {  	s3 =	sld [smem:$0x3FFE];
	_ =	sdelay $0x1  }
0x2: {  	s1 =	srdreg.scid  }
0x3: {  	s0 =	sand.u32 $0x1, s1  }
0x4: {  	s18 =	sshll.u32 s0, $0xA;
	s2 =	sadd.s32 s3, s2  }
0x5: {  	s2 =	sadd.s32 s2, s18  }
0x6: {  	[smem:$0x3FC6] =	sst s2  }
0x7: {  	_ = 	snop  }
0x8: {  	s2 =	sld [smem:$0x3FD0];
	(tm) =	ssettm $0x1  }
0x9: {  	s19 =	sld [smem:$0x3FFB];
	_ =	sdelay $0x3  }
0xa: {  	_ =	strace s19  }
0xb: {  	s3 =	sld [smem:$0x3FFC];
	_ =	sdelay $0x3  }
0xc: {  	_ =	strace s3  }
0xd: {  	s3 =	sld [smem:$0x3FFD];
	_ =	sdelay $0x3  }
0xe: {  	_ =	strace s3  }
0xf: {  	_ =	strace $0x8FFFFFFF  }
0x10: {  	s20 =	sld [smem:$0x3FDB];
	_ =	sdelay $0x1  }
0x11: {  	s4 =	simm.s32 $_scs_section_size  }
0x12: {  	s5 =	simm.s32 $_size__tile_overlayer_lowered;
	s6 =	simm.s32 $_tile_overlayer_lowered  }
0x13: {  	s23 =	simm.s32 $0x1BFF;
	s22 =	sshll.u32 s6, $0x1;
	s3 =	sadd.s32 s4, s20  }
0x14: {  	s7 =	simm.s32 $0x0;
	s21 =	sshll.u32 s5, $0x1;
	s5 =	sadd.s32 s22, s3  }
0x15: {  	[timem:s7], [sflag:s23] =	dma.local [hbm:s5], s21  }
0x16: {  	_ =	swait.ge [sflag:s23], s21  }
0x17: {  	s4 =	ssub.s32 $0x0, s21;
	[sflag:s23] =	ssyncset.done $0x0  }
0x18: {  	[sflag:s23] =	ssyncadd.s32 s4;
	_ =	sdelay $0x1  }
0x19: {  	s24 =	simm.s32 $0x1B8B  }
0x1a: {  	_ =	swait.ge [sflag:s24], $0x1  }
0x1b: {  	[sflag:s24] =	ssyncset.done $0x0  }
0x1c: {  	s26 =	simm.s32 $0x1B8E;
	s25 =	sld [smem:$0x3FFE];
	[sflag:s24] =	ssyncadd.s32 $0xFFFFFFFF  }
0x1d: {  	s27 =	simm.s32 $execute0_lowered;
	[smem:$0x3FD2] =	sst s26  }
0x1e: {  	s5 =	sshll.u32 s27, $0x1;
	_ =	strace $0x80000049;
	[dreg:$0x1] =	wrdreg $0xFFFFFFFF  }
0x1f: {  	s28 =	simm.s32 $_size_execute0_lowered;
	s3 =	sadd.s32 s3, s5;
	[dreg:$0x0] =	wrdreg $0x0  }
0x20: {  	s5 =	sshll.u32 s28, $0x1;
	[dreg:$0x2] =	wrdreg s3  }
0x21: {  	[dreg:$0x3] =	wrdreg s5  }
0x22: {  	[dreg:$0x4] =	wrdreg $0xC0  }
0x23: {  	_ =	task [dreg:s7], $0x5FFFF  }
0x24: {  	[dreg:$0x1] =	wrdreg $0xFFFFFFFF  }
0x25: {  	[dreg:$0x0] =	wrdreg $0x60  }
0x26: {  	[dreg:$0x2] =	wrdreg s25  }
0x27: {  	[dreg:$0x3] =	wrdreg s2  }
0x28: {  	[dreg:$0x4] =	wrdreg $0x9  }
0x29: {  	_ =	task.clear_ibuf [dreg:s7], $0x5FFFF;
	_ =	strace $0x90000049  }
0x2a: {  	s29 =	simm.s32 $0x9;
	_ =	strace $0x8000004B  }
0x2b: {  	_ =	swait.ge [sflag:s29], $0x1  }
0x2c: {  	[sflag:s29] =	ssyncadd.s32 $0xFFFFFFFF  }
0x2d: {  	_ =	strace $0x9000004B  }
0x2e: {  	_ =	sfence  }
0x2f: {  	s30 =	sld [smem:$0x0];
	_ =	sdelay $0x2  }
0x30: {  	s31 =	sshll.u32 s1, $0xD;
	s1 =	sshrl.u32 s1, $0x2  }
0x31: {  	s3 =	sand.u32 $0x4000, s31;
	s1 =	sadd.s32 s1, s30  }
0x32: {  	s0 =	sor.u32 s3, s0;
	s1 =	sshll.u32 s1, $0x11  }
0x33: {  	s0 =	sor.u32 s1, s0  }
0x34: {  	s0 =	sadd.s32 $0x8F2B, s0  }
0x35: {  	[sflag:s0] =	ssyncadd.remote.s32 $0x1  }
0x36: {  	_ =	sfence.sel $0xFFFF  }
0x37: {  	[dreg:$0x0] =	wrdreg $0xFFFFFFFF;
	(pc) =	sbr.abs _section_cstart, $3  }
0x38: {  	[dreg:$0x1] =	wrdreg $0xFFFFFFFF  }
0x39: {  	_ =	task.clear_ibuf [dreg:s7], $0x2FFFF;
	_ =	strace $0x9FFFFFFF  }
0x3a: {  	(tm) =	ssettm $0x7FFFFFFF  }
0x3b: {  	_ =	shalt  }
tec
execute0_lowered:
.L_overlay_start_1:
0x0: {  	(tag) =	ssettag $0x1  }
0x1: {  	s0 =	srdreg.scid  }
0x2: {  	s1 =	sshll.u32 s0, $0x4  }
0x3: {  	s0 =	stileid.u32;
	s1 =	sand.u32 $0x10, s1  }
0x4: {  	s1 =	sor.u32 s0, s1  }
0x5: {  	s6 =	rddreg [dreg:$0x0];
	s4 =	simm.s32 $0x1;
	s2 =	sshll.u32 s1, $0x7  }
0x6: {  	s7 =	simm.s32 $0x2;
	s12 =	simm.s32 $0x0;
	s1 =	ssub.s32 $0x4000, s2  }
0x7: {  	s8 =	simm.s32 $0x20000;
	s13 =	simm.s32 $0x0;
	s3 =	sand.u32 $0xF80, s1  }
0x8: {  	s9 =	simm.s32 $0x0;
	s5 =	sshrl.u32 s1, $0xC;
	p0 =	sne.s32 s3, $0x0  }
.Ltmp0:
0x9: {  	s1 =	rddreg [dreg:$0x2];
	s4 =	simm.s32 @!p0 $0x0;
	(pc) =	sbr.rel .LBB1_1-.Ltmp0, $4  }
0xa: {  	s11 =	simm.s32 $0x0;
	s3 =	rddreg [dreg:$0x1];
	s5 =	sadd.s32 s4, s5  }
0xb: {  	_ =	strace $0x8000004A;
	s4 =	simm.s32 $0x1;
	s5 =	smul.u32 $0x1A, s5  }
0xc: {  	s6 =	sadd.s32 $0xA00, s6;
	s10 =	smov.u32 s2;
	[sflag:s4] =	ssyncpa.u1 $0x0  }
0xd: {  	p0 =	por $0x0, $0x0;
	[sflag:s7] =	ssyncpa.u1 $0x0;
	s7 =	sor.u32 $0x1, s5  }
.LBB1_4:
0xe: {  	s16 =	sshll.u32 s13, $0x3;
	s17 =	sand.u32 $0x78, s13  }
0xf: {  	s30 =	sand.u32 $0xF800, s13;
	s12 =	sshll.u32 s12, $0x10;
	s16 =	sand.u32 $0x3C00, s16  }
0x10: {  	s31 =	sand.u32 $0x7, s13;
	s16 =	sor.u32 s17, s16;
	s17 =	sadd.s32 s3, s30  }
0x11: {  	s13 =	sshll.u32 s31, $0x12;
	s16 =	sshrl.u32 s16, $0x3;
	s12 =	sadd.s32 s12, s17  }
0x12: {  	[tilespmem:s15+$0x0 ss:$0x81] =	vst.msk $0xffff, v0;
	s13 =	sor.u32 $0x400, s13;
	s12 =	sadd.s32 s16, s12  }
0x13: {  	[hbm4b:s12+s13] =	stream.strided.scatter [tilespmem:s14], [sflag:$0x2], $0x1000, s8, s13, $0x20;
	[tilespmem:$0x4040] =	vst v63  }
.LBB1_5:
0x14: {  	s14 =	sadd.s32 $0x1, s9  }
0x15: {  	s12 =	sadd.s32 $0x1000, s10;
	s16 =	smov.u32 s10;
	p2 =	sgt.s32 s14, $0x19  }
0x16: {  	s16 =	smov.u32 @p2 s12  }
0x17: {  	s14 =	simm.s32 @p2 $0x0;
	p2 =	sgt.s32 s16, $0x3FFF  }
0x18: {  	s16 =	smov.u32 @p2 s2;
	p2 =	sne.s32 s11, s7  }
.Ltmp1:
0x19: {  	p1 =	slt.u32 s11, $0x2;
	(pc) =	sbr.rel @!p2 .LBB1_6-.Ltmp1, $4  }
0x1a: {  	s15 =	simm.s32 @!p1 $0x2  }
0x1b: {  	s13 =	smov.u32 s10;
	p0 =	por !p0, !p0;
	_ =	swait.ge @!p1 [sflag:s15], $0x1000  }
0x1c: {  	s12 =	smov.u32 s9;
	[sflag:s15] =	ssyncset.done @!p1 $0x0;
	s9 =	smov.u32 s14  }
0x1d: {  	s11 =	sadd.s32 $0x1, s11;
	[sflag:s15] =	ssyncadd.s32 @!p1 $0xFFFFF000;
	s10 =	smov.u32 s16  }
.LBB1_1:
0x1e: {  	p1 =	sge.u32 s11, s5  }
0x1f: {  	s31 =	sadd.s32 $0xFFFFFFFF, s11;
	s14 =	sxor.u32 @!p1 $0xFFFFFFFF, s11  }
0x20: {  	s15 =	sshll.u32 @!p1 s10, $0x9;
	s16 =	sshll.u32 @!p1 s9, $0x4;
	s17 =	simm.s32 @!p1 $0x1000  }
0x21: {  	s14 =	sshll.u32 @!p1 s14, $0xC;
	s16 =	sand.u32 @!p1 $0x1F0, s16;
	s15 =	sadd.s32 @!p1 s6, s15  }
0x22: {  	s14 =	sand.u32 @!p1 $0x1000, s14;
	s15 =	sadd.s32 @!p1 s16, s15;
	s16 =	simm.s32 @!p1 $0x20  }
0x23: {  	[tilespmem:s14], [sflag:$0x1] =	stream.strided.gather @!p1 [hbm4b:s15+s16], $0x1000, s17, s16, $0x38;
	[tilespmem:$0x4040] =	vst v63  }
0x24: {  	p1 =	sge.u32 s31, s5  }
.Ltmp2:
0x25: {  	_ = 	snop;
	(pc) =	sbr.rel @p1 .LBB1_5-.Ltmp2, $1  }
0x26: {  	_ =	sdelay $0x3  }
0x27: {  	s14 =	simm.s32 $0x1  }
0x28: {  	_ =	swait.ge [sflag:s4], $0x1000;
	s14 =	simm.s32 @!p0 $0x0  }
0x29: {  	[sflag:s4] =	ssyncset.done $0x0;
	s15 =	sshll.u32 s14, $0xC  }
0x2a: {  	[sflag:s4] =	ssyncadd.s32 $0xFFFFF000;
	s18 =	sor.u32 $0x10, s15  }
0x2b: {  	s14 =	smul.u32 $0x4080, s14;
	v1 =	vld [tilespmem:s18+$0x0]  }
0x2c: {  	s30 =	sand.u32 $0x1, s11;
	v0 =	vld [tilespmem:s18+$0xFFFFFFF0]  }
0x2d: {  	s15 =	smul.u32 $0x4080, s30;
	s14 =	sshrl.u32 s14, $0x2  }
0x2e: {  	s16 =	sor.u32 $0x2000, s14  }
0x2f: {  	s31 =	sshrl.u32 s15, $0x2;
	s15 =	sadd.s32 $0x0, s16  }
0x30: {  	s17 =	simm.s32 $0x4;
	s18 =	sadd.s32 $0x20, s18;
	s14 =	sor.u32 $0x2000, s31;
	[tilespmem:s15+$0x810 ss:$0x81] =	vst.msk $0xffff, v1  }
.LBB1_3:
0x31: {  	v1 =	vld [tilespmem:s18+$0x0];
	p1 =	sne.s32 s17, $0x1FC;
	[tilespmem:s15+$0x0 ss:$0x81] =	vst.msk $0xffff, v0;
	s15 =	smov.u32 s17;
	s17 =	sadd.s32 $0x4, s17  }
.Ltmp3:
0x32: {  	v0 =	vld [tilespmem:s18+$0xFFFFFFF0];
	(pc) =	sbr.rel @p1 .LBB1_3-.Ltmp3, $4  }
0x33: {  	_ = 	snop  }
0x34: {  	s15 =	sshra.s32 s15, $0x2  }
0x35: {  	s15 =	sadd.s32 s15, s16  }
0x36: {  	s18 =	sadd.s32 $0x20, s18;
	[tilespmem:s15+$0x810 ss:$0x81] =	vst.msk $0xffff, v1  }
.Ltmp4:
0x37: {  	_ = 	snop;
	(pc) =	sbr.rel .LBB1_4-.Ltmp4, $1  }
0x38: {  	_ =	sdelay $0x3  }
.LBB1_6:
0x39: {  	_ =	sfence.sel $0x180000  }
0x3a: {  	s2 =	simm.s32 $0x1;
	[bflag:$0x0] =	sbarrier.arrive $0xFFFF  }
0x3b: {  	s31 =	simm.s32 $0x2;
	[sflag:s2] =	ssyncpa.u1 $0x1  }
0x3c: {  	[sflag:s31] =	ssyncpa.u1 $0x1  }
0x3d: {  	p0 =	sne.s32 s0, $0x0;
	_ =	strace $0x9000004A  }
0x3e: {  	s0 =	sadd.s32 @!p0 $0x100000, s1;
	[bflag:$0x2] =	sbarrier.arrive $0xFFFF  }
0x3f: {  	[sflag:s0] =	ssyncadd.tile.s32 @!p0 $0x1;
	_ =	shalt  }
.Lfunc_end1:
_tile_overlayer_lowered:
.L_overlay_start_2:
0x40: {  	(tag) =	ssettag $0x2  }
0x41: {  	s0 =	rddreg [dreg:$0x0];
	s2 =	stileid.u32  }
0x42: {  	s1 =	rddreg [dreg:$0x1];
	p0 =	sne.s32 s2, $0x0  }
0x43: {  	s3 =	rddreg [dreg:$0x2];
	[bflag:$0x3] =	sbarrier.arrive $0xFFFF;
	s2 =	simm.s32 @!p0 $0x1C01  }
0x44: {  	[timem:s3], [sflag:s2] =	dma.local @!p0 [hbm:s0], s1  }
0x45: {  	s0 =	simm.s32 @!p0 $0x1  }
0x46: {  	_ =	swait.ge @!p0 [sflag:s0], s1  }
0x47: {  	s1 =	ssub.s32 @!p0 $0x0, s1;
	[sflag:s0] =	ssyncset.done @!p0 $0x0  }
0x48: {  	[sflag:s0] =	ssyncadd.s32 @!p0 s1  }
0x49: {  	[bflag:$0x3] =	sbarrier.arrive $0xFFFF  }
0x4a: {  	_ =	shalt  }

</sc_bundles>
